<compile_context>
chip_gen: v7x
topology: tpu7x:2x2x1
jax: 0.10.2.dev20260603
libtpu: 0.0.44.dev20260713+nightly
codegen_flags: <defaults>
</compile_context>

<pallas_src>
import functools

import jax
import jax.numpy as jnp
from jax import lax
from jax.experimental import pallas as pl
from jax.experimental.pallas import tpu as pltpu
from jax.experimental.pallas import tpu_sc as plsc

_E = 8
_KEEP_K = 5
_PAIR = 1
_NUM_WORKERS = 32


def _router_body(x_ref, gw_ref, out_ref):
    out_ref[...] = lax.dot_general(
        x_ref[...], gw_ref[...], (((1,), (1,)), ((), ())),
        preferred_element_type=jnp.float32)


def _routing_weights_sc(logits):
    T = logits.shape[0]
    tpw = T // _NUM_WORKERS
    n_chunks = tpw // 16
    mesh = plsc.VectorSubcoreMesh(core_axis_name="c", subcore_axis_name="s")

    @functools.partial(
        pl.kernel,
        out_type=jax.ShapeDtypeStruct((T, _E), jnp.float32),
        mesh=mesh,
        scratch_types=[
            pltpu.VMEM((tpw, _E), jnp.float32),
            pltpu.VMEM((tpw, _E), jnp.float32),
        ],
        compiler_params=pltpu.CompilerParams(
            needs_layout_passes=False, skip_device_barrier=True),
    )
    def routing(logits_hbm, dw_hbm, buf_in, buf_out):
        wid = lax.axis_index("s") * 2 + lax.axis_index("c")
        base = wid * tpw
        pltpu.sync_copy(logits_hbm.at[pl.ds(base, tpw)], buf_in)

        def chunk(c, _):
            row = jnp.arange(16, dtype=jnp.int32) + (c * 16)
            ps = [
                plsc.load_gather(
                    buf_in, [row, jnp.full((16,), e, dtype=jnp.int32)])
                for e in range(_E)
            ]
            m = ps[0]
            for e in range(1, _E):
                m = jnp.maximum(m, ps[e])
            zs = [jnp.exp(p - m) for p in ps]
            ssum = zs[0]
            for e in range(1, _E):
                ssum = ssum + zs[e]
            probs = [z / ssum for z in zs]
            kept = []
            for e in range(_E):
                r = None
                for e2 in range(_E):
                    if e2 == e:
                        continue
                    beats = ps[e2] > ps[e]
                    if e2 < e:
                        beats = beats | (ps[e2] == ps[e])
                    ri = beats.astype(jnp.int32)
                    r = ri if r is None else r + ri
                kept.append(jnp.where(r < _KEEP_K, probs[e], 0.0))
            wsum = kept[0]
            for e in range(1, _E):
                wsum = wsum + kept[e]
            denom = jnp.maximum(wsum, 1e-9)
            for e in range(_E):
                col = jnp.full((16,), e, dtype=jnp.int32)
                plsc.store_scatter(buf_out, [row, col], kept[e] / denom)
            return 0

        lax.fori_loop(0, n_chunks, chunk, 0, unroll=False)
        pltpu.sync_copy(buf_out, dw_hbm.at[pl.ds(base, tpw)])

    return routing(logits)


def _expert_body(x_ref, wg_ref, wu_ref, wd_ref, dw_ref, out_ref, xb_ref):
    e = pl.program_id(0)
    hlf = pl.program_id(1)
    first = jnp.logical_and(e == 0, hlf == 0)

    @pl.when(first)
    def _():
        xb_ref[...] = x_ref[...].astype(jnp.bfloat16)

    xb = xb_ref[...]
    wgb = wg_ref[0].astype(jnp.bfloat16)
    wub = wu_ref[0].astype(jnp.bfloat16)
    wdb = wd_ref[0].astype(jnp.bfloat16)
    gate = lax.dot_general(xb, wgb, (((1,), (1,)), ((), ())),
                           preferred_element_type=jnp.float32)
    up = lax.dot_general(xb, wub, (((1,), (1,)), ((), ())),
                         preferred_element_type=jnp.float32)
    h = gate * jax.nn.sigmoid(gate) * up
    y = lax.dot_general(h.astype(jnp.bfloat16), wdb,
                        (((1,), (1,)), ((), ())),
                        preferred_element_type=jnp.float32)
    onehot = (lax.broadcasted_iota(jnp.int32, (_E, 1), 0) == e).astype(
        jnp.float32)
    wcol = lax.dot_general(dw_ref[...], onehot, (((1,), (0,)), ((), ())),
                           preferred_element_type=jnp.float32)
    contrib = y * wcol

    @pl.when(first)
    def _():
        out_ref[...] = contrib

    @pl.when(jnp.logical_not(first))
    def _():
        out_ref[...] = out_ref[...] + contrib


def kernel(hidden_states, gate_w, Wg, Wu, Wd):
    b, s, d = hidden_states.shape
    x = hidden_states.reshape(-1, d)
    T = x.shape[0]
    dff = Wg.shape[1]

    logits = pl.pallas_call(
        _router_body,
        out_shape=jax.ShapeDtypeStruct((T, _E), jnp.float32),
    )(x, gate_w)

    dense_w = _routing_weights_sc(logits)

    hdff = dff // 2
    out = pl.pallas_call(
        _expert_body,
        grid=(_E, 2),
        in_specs=[
            pl.BlockSpec((T, d), lambda e, h: (0, 0)),
            pl.BlockSpec((1, hdff, d), lambda e, h: (e, h, 0)),
            pl.BlockSpec((1, hdff, d), lambda e, h: (e, h, 0)),
            pl.BlockSpec((1, d, hdff), lambda e, h: (e, 0, h)),
            pl.BlockSpec((T, _E), lambda e, h: (0, 0)),
        ],
        out_specs=pl.BlockSpec((T, d), lambda e, h: (0, 0)),
        out_shape=jax.ShapeDtypeStruct((T, d), jnp.float32),
        scratch_shapes=[pltpu.VMEM((T, d), jnp.bfloat16)],
        compiler_params=pltpu.CompilerParams(
            vmem_limit_bytes=120 * 1024 * 1024),
    )(x, Wg, Wu, Wd, dense_w)

    return out.reshape(b, s, d)

# --- scband reference (transcript-rebuilt; emitter-appended) ---
"""Pipeline reference for scband-qwen-moe-wrapper-skip-baseline-44418551775978 (READ-ONLY COPY).

The authoritative reference and input builder live on the scoring server;
editing this copy changes nothing except your own understanding.
"""

import jax, jax.numpy as jnp
import numpy as np

B, S, D = 1, 2048, 768
E, TOPK, KEEP_K, DFF = 8, 8, 5, 768


def setup_inputs(seed: int = 0) -> dict:
    key = jax.random.key(seed)
    ks = jax.random.split(key, 5)
    hidden_states = jax.random.normal(ks[0], (B, S, D), dtype=jnp.float32)
    gate_w = jax.random.normal(ks[1], (E, D), dtype=jnp.float32) * 0.02
    Wg = jax.random.normal(ks[2], (E, DFF, D), dtype=jnp.float32) * 0.02
    Wu = jax.random.normal(ks[3], (E, DFF, D), dtype=jnp.float32) * 0.02
    Wd = jax.random.normal(ks[4], (E, D, DFF), dtype=jnp.float32) * 0.02
    return {"hidden_states": hidden_states, "gate_w": gate_w, "Wg": Wg, "Wu": Wu, "Wd": Wd}


def reference(hidden_states, gate_w, Wg, Wu, Wd):
    b, s, d = hidden_states.shape
    x = hidden_states.reshape(-1, d)
    T = x.shape[0]
    # router: gate Linear (no bias)
    router_logits = x @ gate_w.T
    # qwen_topk_softmax(logits, top_k, normalize_topk=False): softmax over all experts, then top-k
    probs = jax.nn.softmax(router_logits, axis=-1)
    routing_weights, router_indices = jax.lax.top_k(probs, TOPK)
    # seq_length > 1 -> prefill path uses skip_keep_k
    keep_k = KEEP_K if s > 1 else KEEP_K
    # build_fixed_keep_mask: keep the first keep_k (highest-weight) slots of the top_k
    keep_mask = (jnp.arange(TOPK)[None, :] < keep_k).astype(routing_weights.dtype)
    # renormalize_surviving_weights: zero out skipped slots and renormalize survivors to sum 1
    w = routing_weights * keep_mask
    w = w / jnp.clip(jnp.sum(w, axis=-1, keepdims=True), 1e-9, None)
    w = w.astype(x.dtype)
    # dense scatter of effective weights into [T, E]
    dense_routing_weights = jnp.zeros((T, E), dtype=router_logits.dtype)
    dense_routing_weights = dense_routing_weights.at[jnp.arange(T)[:, None], router_indices].set(w)
    # experts: Qwen-style gated MLP per expert, combined with dense routing weights
    gate_h = jnp.einsum('td,efd->tef', x, Wg)
    up_h = jnp.einsum('td,efd->tef', x, Wu)
    h = jax.nn.silu(gate_h) * up_h
    ye = jnp.einsum('tef,edf->ted', h, Wd)
    out = jnp.einsum('ted,te->td', ye, dense_routing_weights)
    return out.reshape(b, s, d)

if __name__ == "__main__":
    import jax
    _d = setup_inputs()
    print(jax.jit(kernel)(*tuple(_d.values())))

</pallas_src>

<mosaic_0001>
#map = affine_map<(d0, d1) -> (0, 0)>
module attributes {stable_mosaic.version = 14 : i64} {
  func.func @routing(%arg0: i32, %arg1: i32, %arg2: memref<2048x8xf32, #tpu.memory_space<hbm>>, %arg3: memref<2048x8xf32, #tpu.memory_space<hbm>>, %arg4: memref<64x8xf32, #tpu.memory_space<vmem>>, %arg5: memref<64x8xf32, #tpu.memory_space<vmem>>) attributes {dimension_semantics = [#tpu.dimension_semantics<core_parallel>, #tpu.dimension_semantics<subcore_parallel>], iteration_bounds = array<i64: 2, 16>, scalar_prefetch = 0 : i64, scratch_operands = 2 : i64, tpu.core_type = #tpu.core_type<sc_vector_subcore>, window_params = [{transform_indices = #map}, {transform_indices = #map}]} {
    %mul3A = arith.constant 2 : i32
    %mul3A_0 = arith.muli %arg1, %mul3A : i32
    %add3A = arith.addi %mul3A_0, %arg0 : i32
    %mul3A_1 = arith.constant 64 : i32
    %mul3A_2 = arith.muli %add3A, %mul3A_1 : i32
    "tpu.region"() ({
      %run_scoped3A = tpu.sem_alloc : memref<!tpu.dma_semaphore, #tpu.memory_space<semaphore_mem>>
      %dma_start3A = arith.constant 0 : i32
      %dma_start3A_9 = tpu.memref_slice %arg2[%mul3A_2, %dma_start3A] : memref<2048x8xf32, #tpu.memory_space<hbm>> -> memref<64x8xf32, #tpu.memory_space<hbm>>
      %dma_start3A_10 = arith.constant 0 : i32
      %dma_start3A_11 = tpu.memref_slice %arg2[%mul3A_2, %dma_start3A_10] : memref<2048x8xf32, #tpu.memory_space<hbm>> -> memref<64x8xf32, #tpu.memory_space<hbm>>
      tpu.enqueue_dma source(%dma_start3A_11 : memref<64x8xf32, #tpu.memory_space<hbm>>) target(%arg4 : memref<64x8xf32, #tpu.memory_space<vmem>>) target_semaphore(%run_scoped3A : memref<!tpu.dma_semaphore, #tpu.memory_space<semaphore_mem>>)
      %dma_wait3A = arith.constant 0 : i32
      %dma_wait3A_12 = tpu.memref_slice %arg2[%mul3A_2, %dma_wait3A] : memref<2048x8xf32, #tpu.memory_space<hbm>> -> memref<64x8xf32, #tpu.memory_space<hbm>>
      %dma_wait3A_13 = arith.constant 0 : i32
      %dma_wait3A_14 = tpu.memref_slice %arg2[%mul3A_2, %dma_wait3A_13] : memref<2048x8xf32, #tpu.memory_space<hbm>> -> memref<64x8xf32, #tpu.memory_space<hbm>>
      tpu.wait_dma2 semaphore(%run_scoped3A : memref<!tpu.dma_semaphore, #tpu.memory_space<semaphore_mem>>) src(%dma_wait3A_14 : memref<64x8xf32, #tpu.memory_space<hbm>>) dst(%arg4 : memref<64x8xf32, #tpu.memory_space<vmem>>)
      tpu.yield
    }) : () -> ()
    %scan3A = arith.constant 0 : i32
    %scan3A_3 = arith.constant 0 : i32
    %scan3A_4 = arith.constant 4 : i32
    %scan3A_5 = arith.addi %scan3A_3, %scan3A_4 : i32
    %scan3A_6 = arith.constant 1 : i32
    %scan3A_7 = scf.for %scan3A_9 = %scan3A_3 to %scan3A_5 step %scan3A_6 iter_args(%scan3A_10 = %scan3A) -> (i32)  : i32 {
      %iota3A = tpu.iota {dimensions = array<i32: 0>} : vector<16xi32>
      %mul3A_11 = arith.constant 16 : i32
      %mul3A_12 = arith.muli %scan3A_9, %mul3A_11 : i32
      %add3A_13 = vector.broadcast %mul3A_12 : i32 to vector<16xi32>
      %add3A_14 = arith.addi %iota3A, %add3A_13 : vector<16xi32>
      %broadcast_in_dim3A = arith.constant 0 : i32
      %broadcast_in_dim3A_15 = vector.broadcast %broadcast_in_dim3A : i32 to vector<16xi32>
      %gather3A = tpu.vector_load_idx %arg4[%add3A_14, %broadcast_in_dim3A_15] : memref<64x8xf32, #tpu.memory_space<vmem>>[vector<16xi32>, vector<16xi32>], vector<16xf32>,
      %broadcast_in_dim3A_16 = arith.constant 1 : i32
      %broadcast_in_dim3A_17 = vector.broadcast %broadcast_in_dim3A_16 : i32 to vector<16xi32>
      %gather3A_18 = tpu.vector_load_idx %arg4[%add3A_14, %broadcast_in_dim3A_17] : memref<64x8xf32, #tpu.memory_space<vmem>>[vector<16xi32>, vector<16xi32>], vector<16xf32>,
      %broadcast_in_dim3A_19 = arith.constant 2 : i32
      %broadcast_in_dim3A_20 = vector.broadcast %broadcast_in_dim3A_19 : i32 to vector<16xi32>
      %gather3A_21 = tpu.vector_load_idx %arg4[%add3A_14, %broadcast_in_dim3A_20] : memref<64x8xf32, #tpu.memory_space<vmem>>[vector<16xi32>, vector<16xi32>], vector<16xf32>,
      %broadcast_in_dim3A_22 = arith.constant 3 : i32
      %broadcast_in_dim3A_23 = vector.broadcast %broadcast_in_dim3A_22 : i32 to vector<16xi32>
      %gather3A_24 = tpu.vector_load_idx %arg4[%add3A_14, %broadcast_in_dim3A_23] : memref<64x8xf32, #tpu.memory_space<vmem>>[vector<16xi32>, vector<16xi32>], vector<16xf32>,
      %broadcast_in_dim3A_25 = arith.constant 4 : i32
      %broadcast_in_dim3A_26 = vector.broadcast %broadcast_in_dim3A_25 : i32 to vector<16xi32>
      %gather3A_27 = tpu.vector_load_idx %arg4[%add3A_14, %broadcast_in_dim3A_26] : memref<64x8xf32, #tpu.memory_space<vmem>>[vector<16xi32>, vector<16xi32>], vector<16xf32>,
      %broadcast_in_dim3A_28 = arith.constant 5 : i32
      %broadcast_in_dim3A_29 = vector.broadcast %broadcast_in_dim3A_28 : i32 to vector<16xi32>
      %gather3A_30 = tpu.vector_load_idx %arg4[%add3A_14, %broadcast_in_dim3A_29] : memref<64x8xf32, #tpu.memory_space<vmem>>[vector<16xi32>, vector<16xi32>], vector<16xf32>,
      %broadcast_in_dim3A_31 = arith.constant 6 : i32
      %broadcast_in_dim3A_32 = vector.broadcast %broadcast_in_dim3A_31 : i32 to vector<16xi32>
      %gather3A_33 = tpu.vector_load_idx %arg4[%add3A_14, %broadcast_in_dim3A_32] : memref<64x8xf32, #tpu.memory_space<vmem>>[vector<16xi32>, vector<16xi32>], vector<16xf32>,
      %broadcast_in_dim3A_34 = arith.constant 7 : i32
      %broadcast_in_dim3A_35 = vector.broadcast %broadcast_in_dim3A_34 : i32 to vector<16xi32>
      %gather3A_36 = tpu.vector_load_idx %arg4[%add3A_14, %broadcast_in_dim3A_35] : memref<64x8xf32, #tpu.memory_space<vmem>>[vector<16xi32>, vector<16xi32>], vector<16xf32>,
      %max3A = arith.maximumf %gather3A, %gather3A_18 : vector<16xf32>
      %max3A_37 = arith.maximumf %max3A, %gather3A_21 : vector<16xf32>
      %max3A_38 = arith.maximumf %max3A_37, %gather3A_24 : vector<16xf32>
      %max3A_39 = arith.maximumf %max3A_38, %gather3A_27 : vector<16xf32>
      %max3A_40 = arith.maximumf %max3A_39, %gather3A_30 : vector<16xf32>
      %max3A_41 = arith.maximumf %max3A_40, %gather3A_33 : vector<16xf32>
      %max3A_42 = arith.maximumf %max3A_41, %gather3A_36 : vector<16xf32>
      %sub3A = arith.subf %gather3A, %max3A_42 : vector<16xf32>
      %exp3A = math.exp %sub3A : vector<16xf32>
      %sub3A_43 = arith.subf %gather3A_18, %max3A_42 : vector<16xf32>
      %exp3A_44 = math.exp %sub3A_43 : vector<16xf32>
      %sub3A_45 = arith.subf %gather3A_21, %max3A_42 : vector<16xf32>
      %exp3A_46 = math.exp %sub3A_45 : vector<16xf32>
      %sub3A_47 = arith.subf %gather3A_24, %max3A_42 : vector<16xf32>
      %exp3A_48 = math.exp %sub3A_47 : vector<16xf32>
      %sub3A_49 = arith.subf %gather3A_27, %max3A_42 : vector<16xf32>
      %exp3A_50 = math.exp %sub3A_49 : vector<16xf32>
      %sub3A_51 = arith.subf %gather3A_30, %max3A_42 : vector<16xf32>
      %exp3A_52 = math.exp %sub3A_51 : vector<16xf32>
      %sub3A_53 = arith.subf %gather3A_33, %max3A_42 : vector<16xf32>
      %exp3A_54 = math.exp %sub3A_53 : vector<16xf32>
      %sub3A_55 = arith.subf %gather3A_36, %max3A_42 : vector<16xf32>
      %exp3A_56 = math.exp %sub3A_55 : vector<16xf32>
      %add3A_57 = arith.addf %exp3A, %exp3A_44 : vector<16xf32>
      %add3A_58 = arith.addf %add3A_57, %exp3A_46 : vector<16xf32>
      %add3A_59 = arith.addf %add3A_58, %exp3A_48 : vector<16xf32>
      %add3A_60 = arith.addf %add3A_59, %exp3A_50 : vector<16xf32>
      %add3A_61 = arith.addf %add3A_60, %exp3A_52 : vector<16xf32>
      %add3A_62 = arith.addf %add3A_61, %exp3A_54 : vector<16xf32>
      %add3A_63 = arith.addf %add3A_62, %exp3A_56 : vector<16xf32>
      %div3A = arith.divf %exp3A, %add3A_63 : vector<16xf32>
      %div3A_64 = arith.divf %exp3A_44, %add3A_63 : vector<16xf32>
      %div3A_65 = arith.divf %exp3A_46, %add3A_63 : vector<16xf32>
      %div3A_66 = arith.divf %exp3A_48, %add3A_63 : vector<16xf32>
      %div3A_67 = arith.divf %exp3A_50, %add3A_63 : vector<16xf32>
      %div3A_68 = arith.divf %exp3A_52, %add3A_63 : vector<16xf32>
      %div3A_69 = arith.divf %exp3A_54, %add3A_63 : vector<16xf32>
      %div3A_70 = arith.divf %exp3A_56, %add3A_63 : vector<16xf32>
      %gt3A = arith.cmpf ogt, %gather3A_18, %gather3A : vector<16xf32>
      %convert_element_type3A = arith.extui %gt3A : vector<16xi1> to vector<16xi32>
      %gt3A_71 = arith.cmpf ogt, %gather3A_21, %gather3A : vector<16xf32>
      %convert_element_type3A_72 = arith.extui %gt3A_71 : vector<16xi1> to vector<16xi32>
      %add3A_73 = arith.addi %convert_element_type3A, %convert_element_type3A_72 : vector<16xi32>
      %gt3A_74 = arith.cmpf ogt, %gather3A_24, %gather3A : vector<16xf32>
      %convert_element_type3A_75 = arith.extui %gt3A_74 : vector<16xi1> to vector<16xi32>
      %add3A_76 = arith.addi %add3A_73, %convert_element_type3A_75 : vector<16xi32>
      %gt3A_77 = arith.cmpf ogt, %gather3A_27, %gather3A : vector<16xf32>
      %convert_element_type3A_78 = arith.extui %gt3A_77 : vector<16xi1> to vector<16xi32>
      %add3A_79 = arith.addi %add3A_76, %convert_element_type3A_78 : vector<16xi32>
      %gt3A_80 = arith.cmpf ogt, %gather3A_30, %gather3A : vector<16xf32>
      %convert_element_type3A_81 = arith.extui %gt3A_80 : vector<16xi1> to vector<16xi32>
      %add3A_82 = arith.addi %add3A_79, %convert_element_type3A_81 : vector<16xi32>
      %gt3A_83 = arith.cmpf ogt, %gather3A_33, %gather3A : vector<16xf32>
      %convert_element_type3A_84 = arith.extui %gt3A_83 : vector<16xi1> to vector<16xi32>
      %add3A_85 = arith.addi %add3A_82, %convert_element_type3A_84 : vector<16xi32>
      %gt3A_86 = arith.cmpf ogt, %gather3A_36, %gather3A : vector<16xf32>
      %convert_element_type3A_87 = arith.extui %gt3A_86 : vector<16xi1> to vector<16xi32>
      %add3A_88 = arith.addi %add3A_85, %convert_element_type3A_87 : vector<16xi32>
      %lt3A = arith.constant 5 : i32
      %lt3A_89 = vector.broadcast %lt3A : i32 to vector<16xi32>
      %lt3A_90 = arith.cmpi slt, %add3A_88, %lt3A_89 : vector<16xi32>
      %jit3A = arith.constant 0.000000e+00 : f32
      %broadcast_in_dim3A_91 = vector.broadcast %jit3A : f32 to vector<16xf32>
      %select_n3A = arith.select %lt3A_90, %div3A, %broadcast_in_dim3A_91 : vector<16xi1>, vector<16xf32>
      %gt3A_92 = arith.cmpf ogt, %gather3A, %gather3A_18 : vector<16xf32>
      %eq3A = arith.cmpf oeq, %gather3A, %gather3A_18 : vector<16xf32>
      %or3A = arith.ori %gt3A_92, %eq3A : vector<16xi1>
      %convert_element_type3A_93 = arith.extui %or3A : vector<16xi1> to vector<16xi32>
      %gt3A_94 = arith.cmpf ogt, %gather3A_21, %gather3A_18 : vector<16xf32>
      %convert_element_type3A_95 = arith.extui %gt3A_94 : vector<16xi1> to vector<16xi32>
      %add3A_96 = arith.addi %convert_element_type3A_93, %convert_element_type3A_95 : vector<16xi32>
      %gt3A_97 = arith.cmpf ogt, %gather3A_24, %gather3A_18 : vector<16xf32>
      %convert_element_type3A_98 = arith.extui %gt3A_97 : vector<16xi1> to vector<16xi32>
      %add3A_99 = arith.addi %add3A_96, %convert_element_type3A_98 : vector<16xi32>
      %gt3A_100 = arith.cmpf ogt, %gather3A_27, %gather3A_18 : vector<16xf32>
      %convert_element_type3A_101 = arith.extui %gt3A_100 : vector<16xi1> to vector<16xi32>
      %add3A_102 = arith.addi %add3A_99, %convert_element_type3A_101 : vector<16xi32>
      %gt3A_103 = arith.cmpf ogt, %gather3A_30, %gather3A_18 : vector<16xf32>
      %convert_element_type3A_104 = arith.extui %gt3A_103 : vector<16xi1> to vector<16xi32>
      %add3A_105 = arith.addi %add3A_102, %convert_element_type3A_104 : vector<16xi32>
      %gt3A_106 = arith.cmpf ogt, %gather3A_33, %gather3A_18 : vector<16xf32>
      %convert_element_type3A_107 = arith.extui %gt3A_106 : vector<16xi1> to vector<16xi32>
      %add3A_108 = arith.addi %add3A_105, %convert_element_type3A_107 : vector<16xi32>
      %gt3A_109 = arith.cmpf ogt, %gather3A_36, %gather3A_18 : vector<16xf32>
      %convert_element_type3A_110 = arith.extui %gt3A_109 : vector<16xi1> to vector<16xi32>
      %add3A_111 = arith.addi %add3A_108, %convert_element_type3A_110 : vector<16xi32>
      %lt3A_112 = arith.constant 5 : i32
      %lt3A_113 = vector.broadcast %lt3A_112 : i32 to vector<16xi32>
      %lt3A_114 = arith.cmpi slt, %add3A_111, %lt3A_113 : vector<16xi32>
      %jit3A_115 = arith.constant 0.000000e+00 : f32
      %broadcast_in_dim3A_116 = vector.broadcast %jit3A_115 : f32 to vector<16xf32>
      %select_n3A_117 = arith.select %lt3A_114, %div3A_64, %broadcast_in_dim3A_116 : vector<16xi1>, vector<16xf32>
      %gt3A_118 = arith.cmpf ogt, %gather3A, %gather3A_21 : vector<16xf32>
      %eq3A_119 = arith.cmpf oeq, %gather3A, %gather3A_21 : vector<16xf32>
      %or3A_120 = arith.ori %gt3A_118, %eq3A_119 : vector<16xi1>
      %convert_element_type3A_121 = arith.extui %or3A_120 : vector<16xi1> to vector<16xi32>
      %gt3A_122 = arith.cmpf ogt, %gather3A_18, %gather3A_21 : vector<16xf32>
      %eq3A_123 = arith.cmpf oeq, %gather3A_18, %gather3A_21 : vector<16xf32>
      %or3A_124 = arith.ori %gt3A_122, %eq3A_123 : vector<16xi1>
      %convert_element_type3A_125 = arith.extui %or3A_124 : vector<16xi1> to vector<16xi32>
      %add3A_126 = arith.addi %convert_element_type3A_121, %convert_element_type3A_125 : vector<16xi32>
      %gt3A_127 = arith.cmpf ogt, %gather3A_24, %gather3A_21 : vector<16xf32>
      %convert_element_type3A_128 = arith.extui %gt3A_127 : vector<16xi1> to vector<16xi32>
      %add3A_129 = arith.addi %add3A_126, %convert_element_type3A_128 : vector<16xi32>
      %gt3A_130 = arith.cmpf ogt, %gather3A_27, %gather3A_21 : vector<16xf32>
      %convert_element_type3A_131 = arith.extui %gt3A_130 : vector<16xi1> to vector<16xi32>
      %add3A_132 = arith.addi %add3A_129, %convert_element_type3A_131 : vector<16xi32>
      %gt3A_133 = arith.cmpf ogt, %gather3A_30, %gather3A_21 : vector<16xf32>
      %convert_element_type3A_134 = arith.extui %gt3A_133 : vector<16xi1> to vector<16xi32>
      %add3A_135 = arith.addi %add3A_132, %convert_element_type3A_134 : vector<16xi32>
      %gt3A_136 = arith.cmpf ogt, %gather3A_33, %gather3A_21 : vector<16xf32>
      %convert_element_type3A_137 = arith.extui %gt3A_136 : vector<16xi1> to vector<16xi32>
      %add3A_138 = arith.addi %add3A_135, %convert_element_type3A_137 : vector<16xi32>
      %gt3A_139 = arith.cmpf ogt, %gather3A_36, %gather3A_21 : vector<16xf32>
      %convert_element_type3A_140 = arith.extui %gt3A_139 : vector<16xi1> to vector<16xi32>
      %add3A_141 = arith.addi %add3A_138, %convert_element_type3A_140 : vector<16xi32>
      %lt3A_142 = arith.constant 5 : i32
      %lt3A_143 = vector.broadcast %lt3A_142 : i32 to vector<16xi32>
      %lt3A_144 = arith.cmpi slt, %add3A_141, %lt3A_143 : vector<16xi32>
      %jit3A_145 = arith.constant 0.000000e+00 : f32
      %broadcast_in_dim3A_146 = vector.broadcast %jit3A_145 : f32 to vector<16xf32>
      %select_n3A_147 = arith.select %lt3A_144, %div3A_65, %broadcast_in_dim3A_146 : vector<16xi1>, vector<16xf32>
      %gt3A_148 = arith.cmpf ogt, %gather3A, %gather3A_24 : vector<16xf32>
      %eq3A_149 = arith.cmpf oeq, %gather3A, %gather3A_24 : vector<16xf32>
      %or3A_150 = arith.ori %gt3A_148, %eq3A_149 : vector<16xi1>
      %convert_element_type3A_151 = arith.extui %or3A_150 : vector<16xi1> to vector<16xi32>
      %gt3A_152 = arith.cmpf ogt, %gather3A_18, %gather3A_24 : vector<16xf32>
      %eq3A_153 = arith.cmpf oeq, %gather3A_18, %gather3A_24 : vector<16xf32>
      %or3A_154 = arith.ori %gt3A_152, %eq3A_153 : vector<16xi1>
      %convert_element_type3A_155 = arith.extui %or3A_154 : vector<16xi1> to vector<16xi32>
      %add3A_156 = arith.addi %convert_element_type3A_151, %convert_element_type3A_155 : vector<16xi32>
      %gt3A_157 = arith.cmpf ogt, %gather3A_21, %gather3A_24 : vector<16xf32>
      %eq3A_158 = arith.cmpf oeq, %gather3A_21, %gather3A_24 : vector<16xf32>
      %or3A_159 = arith.ori %gt3A_157, %eq3A_158 : vector<16xi1>
      %convert_element_type3A_160 = arith.extui %or3A_159 : vector<16xi1> to vector<16xi32>
      %add3A_161 = arith.addi %add3A_156, %convert_element_type3A_160 : vector<16xi32>
      %gt3A_162 = arith.cmpf ogt, %gather3A_27, %gather3A_24 : vector<16xf32>
      %convert_element_type3A_163 = arith.extui %gt3A_162 : vector<16xi1> to vector<16xi32>
      %add3A_164 = arith.addi %add3A_161, %convert_element_type3A_163 : vector<16xi32>
      %gt3A_165 = arith.cmpf ogt, %gather3A_30, %gather3A_24 : vector<16xf32>
      %convert_element_type3A_166 = arith.extui %gt3A_165 : vector<16xi1> to vector<16xi32>
      %add3A_167 = arith.addi %add3A_164, %convert_element_type3A_166 : vector<16xi32>
      %gt3A_168 = arith.cmpf ogt, %gather3A_33, %gather3A_24 : vector<16xf32>
      %convert_element_type3A_169 = arith.extui %gt3A_168 : vector<16xi1> to vector<16xi32>
      %add3A_170 = arith.addi %add3A_167, %convert_element_type3A_169 : vector<16xi32>
      %gt3A_171 = arith.cmpf ogt, %gather3A_36, %gather3A_24 : vector<16xf32>
      %convert_element_type3A_172 = arith.extui %gt3A_171 : vector<16xi1> to vector<16xi32>
      %add3A_173 = arith.addi %add3A_170, %convert_element_type3A_172 : vector<16xi32>
      %lt3A_174 = arith.constant 5 : i32
      %lt3A_175 = vector.broadcast %lt3A_174 : i32 to vector<16xi32>
      %lt3A_176 = arith.cmpi slt, %add3A_173, %lt3A_175 : vector<16xi32>
      %jit3A_177 = arith.constant 0.000000e+00 : f32
      %broadcast_in_dim3A_178 = vector.broadcast %jit3A_177 : f32 to vector<16xf32>
      %select_n3A_179 = arith.select %lt3A_176, %div3A_66, %broadcast_in_dim3A_178 : vector<16xi1>, vector<16xf32>
      %gt3A_180 = arith.cmpf ogt, %gather3A, %gather3A_27 : vector<16xf32>
      %eq3A_181 = arith.cmpf oeq, %gather3A, %gather3A_27 : vector<16xf32>
      %or3A_182 = arith.ori %gt3A_180, %eq3A_181 : vector<16xi1>
      %convert_element_type3A_183 = arith.extui %or3A_182 : vector<16xi1> to vector<16xi32>
      %gt3A_184 = arith.cmpf ogt, %gather3A_18, %gather3A_27 : vector<16xf32>
      %eq3A_185 = arith.cmpf oeq, %gather3A_18, %gather3A_27 : vector<16xf32>
      %or3A_186 = arith.ori %gt3A_184, %eq3A_185 : vector<16xi1>
      %convert_element_type3A_187 = arith.extui %or3A_186 : vector<16xi1> to vector<16xi32>
      %add3A_188 = arith.addi %convert_element_type3A_183, %convert_element_type3A_187 : vector<16xi32>
      %gt3A_189 = arith.cmpf ogt, %gather3A_21, %gather3A_27 : vector<16xf32>
      %eq3A_190 = arith.cmpf oeq, %gather3A_21, %gather3A_27 : vector<16xf32>
      %or3A_191 = arith.ori %gt3A_189, %eq3A_190 : vector<16xi1>
      %convert_element_type3A_192 = arith.extui %or3A_191 : vector<16xi1> to vector<16xi32>
      %add3A_193 = arith.addi %add3A_188, %convert_element_type3A_192 : vector<16xi32>
      %gt3A_194 = arith.cmpf ogt, %gather3A_24, %gather3A_27 : vector<16xf32>
      %eq3A_195 = arith.cmpf oeq, %gather3A_24, %gather3A_27 : vector<16xf32>
      %or3A_196 = arith.ori %gt3A_194, %eq3A_195 : vector<16xi1>
      %convert_element_type3A_197 = arith.extui %or3A_196 : vector<16xi1> to vector<16xi32>
      %add3A_198 = arith.addi %add3A_193, %convert_element_type3A_197 : vector<16xi32>
      %gt3A_199 = arith.cmpf ogt, %gather3A_30, %gather3A_27 : vector<16xf32>
      %convert_element_type3A_200 = arith.extui %gt3A_199 : vector<16xi1> to vector<16xi32>
      %add3A_201 = arith.addi %add3A_198, %convert_element_type3A_200 : vector<16xi32>
      %gt3A_202 = arith.cmpf ogt, %gather3A_33, %gather3A_27 : vector<16xf32>
      %convert_element_type3A_203 = arith.extui %gt3A_202 : vector<16xi1> to vector<16xi32>
      %add3A_204 = arith.addi %add3A_201, %convert_element_type3A_203 : vector<16xi32>
      %gt3A_205 = arith.cmpf ogt, %gather3A_36, %gather3A_27 : vector<16xf32>
      %convert_element_type3A_206 = arith.extui %gt3A_205 : vector<16xi1> to vector<16xi32>
      %add3A_207 = arith.addi %add3A_204, %convert_element_type3A_206 : vector<16xi32>
      %lt3A_208 = arith.constant 5 : i32
      %lt3A_209 = vector.broadcast %lt3A_208 : i32 to vector<16xi32>
      %lt3A_210 = arith.cmpi slt, %add3A_207, %lt3A_209 : vector<16xi32>
      %jit3A_211 = arith.constant 0.000000e+00 : f32
      %broadcast_in_dim3A_212 = vector.broadcast %jit3A_211 : f32 to vector<16xf32>
      %select_n3A_213 = arith.select %lt3A_210, %div3A_67, %broadcast_in_dim3A_212 : vector<16xi1>, vector<16xf32>
      %gt3A_214 = arith.cmpf ogt, %gather3A, %gather3A_30 : vector<16xf32>
      %eq3A_215 = arith.cmpf oeq, %gather3A, %gather3A_30 : vector<16xf32>
      %or3A_216 = arith.ori %gt3A_214, %eq3A_215 : vector<16xi1>
      %convert_element_type3A_217 = arith.extui %or3A_216 : vector<16xi1> to vector<16xi32>
      %gt3A_218 = arith.cmpf ogt, %gather3A_18, %gather3A_30 : vector<16xf32>
      %eq3A_219 = arith.cmpf oeq, %gather3A_18, %gather3A_30 : vector<16xf32>
      %or3A_220 = arith.ori %gt3A_218, %eq3A_219 : vector<16xi1>
      %convert_element_type3A_221 = arith.extui %or3A_220 : vector<16xi1> to vector<16xi32>
      %add3A_222 = arith.addi %convert_element_type3A_217, %convert_element_type3A_221 : vector<16xi32>
      %gt3A_223 = arith.cmpf ogt, %gather3A_21, %gather3A_30 : vector<16xf32>
      %eq3A_224 = arith.cmpf oeq, %gather3A_21, %gather3A_30 : vector<16xf32>
      %or3A_225 = arith.ori %gt3A_223, %eq3A_224 : vector<16xi1>
      %convert_element_type3A_226 = arith.extui %or3A_225 : vector<16xi1> to vector<16xi32>
      %add3A_227 = arith.addi %add3A_222, %convert_element_type3A_226 : vector<16xi32>
      %gt3A_228 = arith.cmpf ogt, %gather3A_24, %gather3A_30 : vector<16xf32>
      %eq3A_229 = arith.cmpf oeq, %gather3A_24, %gather3A_30 : vector<16xf32>
      %or3A_230 = arith.ori %gt3A_228, %eq3A_229 : vector<16xi1>
      %convert_element_type3A_231 = arith.extui %or3A_230 : vector<16xi1> to vector<16xi32>
      %add3A_232 = arith.addi %add3A_227, %convert_element_type3A_231 : vector<16xi32>
      %gt3A_233 = arith.cmpf ogt, %gather3A_27, %gather3A_30 : vector<16xf32>
      %eq3A_234 = arith.cmpf oeq, %gather3A_27, %gather3A_30 : vector<16xf32>
      %or3A_235 = arith.ori %gt3A_233, %eq3A_234 : vector<16xi1>
      %convert_element_type3A_236 = arith.extui %or3A_235 : vector<16xi1> to vector<16xi32>
      %add3A_237 = arith.addi %add3A_232, %convert_element_type3A_236 : vector<16xi32>
      %gt3A_238 = arith.cmpf ogt, %gather3A_33, %gather3A_30 : vector<16xf32>
      %convert_element_type3A_239 = arith.extui %gt3A_238 : vector<16xi1> to vector<16xi32>
      %add3A_240 = arith.addi %add3A_237, %convert_element_type3A_239 : vector<16xi32>
      %gt3A_241 = arith.cmpf ogt, %gather3A_36, %gather3A_30 : vector<16xf32>
      %convert_element_type3A_242 = arith.extui %gt3A_241 : vector<16xi1> to vector<16xi32>
      %add3A_243 = arith.addi %add3A_240, %convert_element_type3A_242 : vector<16xi32>
      %lt3A_244 = arith.constant 5 : i32
      %lt3A_245 = vector.broadcast %lt3A_244 : i32 to vector<16xi32>
      %lt3A_246 = arith.cmpi slt, %add3A_243, %lt3A_245 : vector<16xi32>
      %jit3A_247 = arith.constant 0.000000e+00 : f32
      %broadcast_in_dim3A_248 = vector.broadcast %jit3A_247 : f32 to vector<16xf32>
      %select_n3A_249 = arith.select %lt3A_246, %div3A_68, %broadcast_in_dim3A_248 : vector<16xi1>, vector<16xf32>
      %gt3A_250 = arith.cmpf ogt, %gather3A, %gather3A_33 : vector<16xf32>
      %eq3A_251 = arith.cmpf oeq, %gather3A, %gather3A_33 : vector<16xf32>
      %or3A_252 = arith.ori %gt3A_250, %eq3A_251 : vector<16xi1>
      %convert_element_type3A_253 = arith.extui %or3A_252 : vector<16xi1> to vector<16xi32>
      %gt3A_254 = arith.cmpf ogt, %gather3A_18, %gather3A_33 : vector<16xf32>
      %eq3A_255 = arith.cmpf oeq, %gather3A_18, %gather3A_33 : vector<16xf32>
      %or3A_256 = arith.ori %gt3A_254, %eq3A_255 : vector<16xi1>
      %convert_element_type3A_257 = arith.extui %or3A_256 : vector<16xi1> to vector<16xi32>
      %add3A_258 = arith.addi %convert_element_type3A_253, %convert_element_type3A_257 : vector<16xi32>
      %gt3A_259 = arith.cmpf ogt, %gather3A_21, %gather3A_33 : vector<16xf32>
      %eq3A_260 = arith.cmpf oeq, %gather3A_21, %gather3A_33 : vector<16xf32>
      %or3A_261 = arith.ori %gt3A_259, %eq3A_260 : vector<16xi1>
      %convert_element_type3A_262 = arith.extui %or3A_261 : vector<16xi1> to vector<16xi32>
      %add3A_263 = arith.addi %add3A_258, %convert_element_type3A_262 : vector<16xi32>
      %gt3A_264 = arith.cmpf ogt, %gather3A_24, %gather3A_33 : vector<16xf32>
      %eq3A_265 = arith.cmpf oeq, %gather3A_24, %gather3A_33 : vector<16xf32>
      %or3A_266 = arith.ori %gt3A_264, %eq3A_265 : vector<16xi1>
      %convert_element_type3A_267 = arith.extui %or3A_266 : vector<16xi1> to vector<16xi32>
      %add3A_268 = arith.addi %add3A_263, %convert_element_type3A_267 : vector<16xi32>
      %gt3A_269 = arith.cmpf ogt, %gather3A_27, %gather3A_33 : vector<16xf32>
      %eq3A_270 = arith.cmpf oeq, %gather3A_27, %gather3A_33 : vector<16xf32>
      %or3A_271 = arith.ori %gt3A_269, %eq3A_270 : vector<16xi1>
      %convert_element_type3A_272 = arith.extui %or3A_271 : vector<16xi1> to vector<16xi32>
      %add3A_273 = arith.addi %add3A_268, %convert_element_type3A_272 : vector<16xi32>
      %gt3A_274 = arith.cmpf ogt, %gather3A_30, %gather3A_33 : vector<16xf32>
      %eq3A_275 = arith.cmpf oeq, %gather3A_30, %gather3A_33 : vector<16xf32>
      %or3A_276 = arith.ori %gt3A_274, %eq3A_275 : vector<16xi1>
      %convert_element_type3A_277 = arith.extui %or3A_276 : vector<16xi1> to vector<16xi32>
      %add3A_278 = arith.addi %add3A_273, %convert_element_type3A_277 : vector<16xi32>
      %gt3A_279 = arith.cmpf ogt, %gather3A_36, %gather3A_33 : vector<16xf32>
      %convert_element_type3A_280 = arith.extui %gt3A_279 : vector<16xi1> to vector<16xi32>
      %add3A_281 = arith.addi %add3A_278, %convert_element_type3A_280 : vector<16xi32>
      %lt3A_282 = arith.constant 5 : i32
      %lt3A_283 = vector.broadcast %lt3A_282 : i32 to vector<16xi32>
      %lt3A_284 = arith.cmpi slt, %add3A_281, %lt3A_283 : vector<16xi32>
      %jit3A_285 = arith.constant 0.000000e+00 : f32
      %broadcast_in_dim3A_286 = vector.broadcast %jit3A_285 : f32 to vector<16xf32>
      %select_n3A_287 = arith.select %lt3A_284, %div3A_69, %broadcast_in_dim3A_286 : vector<16xi1>, vector<16xf32>
      %gt3A_288 = arith.cmpf ogt, %gather3A, %gather3A_36 : vector<16xf32>
      %eq3A_289 = arith.cmpf oeq, %gather3A, %gather3A_36 : vector<16xf32>
      %or3A_290 = arith.ori %gt3A_288, %eq3A_289 : vector<16xi1>
      %convert_element_type3A_291 = arith.extui %or3A_290 : vector<16xi1> to vector<16xi32>
      %gt3A_292 = arith.cmpf ogt, %gather3A_18, %gather3A_36 : vector<16xf32>
      %eq3A_293 = arith.cmpf oeq, %gather3A_18, %gather3A_36 : vector<16xf32>
      %or3A_294 = arith.ori %gt3A_292, %eq3A_293 : vector<16xi1>
      %convert_element_type3A_295 = arith.extui %or3A_294 : vector<16xi1> to vector<16xi32>
      %add3A_296 = arith.addi %convert_element_type3A_291, %convert_element_type3A_295 : vector<16xi32>
      %gt3A_297 = arith.cmpf ogt, %gather3A_21, %gather3A_36 : vector<16xf32>
      %eq3A_298 = arith.cmpf oeq, %gather3A_21, %gather3A_36 : vector<16xf32>
      %or3A_299 = arith.ori %gt3A_297, %eq3A_298 : vector<16xi1>
      %convert_element_type3A_300 = arith.extui %or3A_299 : vector<16xi1> to vector<16xi32>
      %add3A_301 = arith.addi %add3A_296, %convert_element_type3A_300 : vector<16xi32>
      %gt3A_302 = arith.cmpf ogt, %gather3A_24, %gather3A_36 : vector<16xf32>
      %eq3A_303 = arith.cmpf oeq, %gather3A_24, %gather3A_36 : vector<16xf32>
      %or3A_304 = arith.ori %gt3A_302, %eq3A_303 : vector<16xi1>
      %convert_element_type3A_305 = arith.extui %or3A_304 : vector<16xi1> to vector<16xi32>
      %add3A_306 = arith.addi %add3A_301, %convert_element_type3A_305 : vector<16xi32>
      %gt3A_307 = arith.cmpf ogt, %gather3A_27, %gather3A_36 : vector<16xf32>
      %eq3A_308 = arith.cmpf oeq, %gather3A_27, %gather3A_36 : vector<16xf32>
      %or3A_309 = arith.ori %gt3A_307, %eq3A_308 : vector<16xi1>
      %convert_element_type3A_310 = arith.extui %or3A_309 : vector<16xi1> to vector<16xi32>
      %add3A_311 = arith.addi %add3A_306, %convert_element_type3A_310 : vector<16xi32>
      %gt3A_312 = arith.cmpf ogt, %gather3A_30, %gather3A_36 : vector<16xf32>
      %eq3A_313 = arith.cmpf oeq, %gather3A_30, %gather3A_36 : vector<16xf32>
      %or3A_314 = arith.ori %gt3A_312, %eq3A_313 : vector<16xi1>
      %convert_element_type3A_315 = arith.extui %or3A_314 : vector<16xi1> to vector<16xi32>
      %add3A_316 = arith.addi %add3A_311, %convert_element_type3A_315 : vector<16xi32>
      %gt3A_317 = arith.cmpf ogt, %gather3A_33, %gather3A_36 : vector<16xf32>
      %eq3A_318 = arith.cmpf oeq, %gather3A_33, %gather3A_36 : vector<16xf32>
      %or3A_319 = arith.ori %gt3A_317, %eq3A_318 : vector<16xi1>
      %convert_element_type3A_320 = arith.extui %or3A_319 : vector<16xi1> to vector<16xi32>
      %add3A_321 = arith.addi %add3A_316, %convert_element_type3A_320 : vector<16xi32>
      %lt3A_322 = arith.constant 5 : i32
      %lt3A_323 = vector.broadcast %lt3A_322 : i32 to vector<16xi32>
      %lt3A_324 = arith.cmpi slt, %add3A_321, %lt3A_323 : vector<16xi32>
      %jit3A_325 = arith.constant 0.000000e+00 : f32
      %broadcast_in_dim3A_326 = vector.broadcast %jit3A_325 : f32 to vector<16xf32>
      %select_n3A_327 = arith.select %lt3A_324, %div3A_70, %broadcast_in_dim3A_326 : vector<16xi1>, vector<16xf32>
      %add3A_328 = arith.addf %select_n3A, %select_n3A_117 : vector<16xf32>
      %add3A_329 = arith.addf %add3A_328, %select_n3A_147 : vector<16xf32>
      %add3A_330 = arith.addf %add3A_329, %select_n3A_179 : vector<16xf32>
      %add3A_331 = arith.addf %add3A_330, %select_n3A_213 : vector<16xf32>
      %add3A_332 = arith.addf %add3A_331, %select_n3A_249 : vector<16xf32>
      %add3A_333 = arith.addf %add3A_332, %select_n3A_287 : vector<16xf32>
      %add3A_334 = arith.addf %add3A_333, %select_n3A_327 : vector<16xf32>
      %max3A_335 = arith.constant 9.99999971E-10 : f32
      %max3A_336 = vector.broadcast %max3A_335 : f32 to vector<16xf32>
      %max3A_337 = arith.maximumf %add3A_334, %max3A_336 : vector<16xf32>
      %broadcast_in_dim3A_338 = arith.constant 0 : i32
      %broadcast_in_dim3A_339 = vector.broadcast %broadcast_in_dim3A_338 : i32 to vector<16xi32>
      %div3A_340 = arith.divf %select_n3A, %max3A_337 : vector<16xf32>
      tpu.vector_store_idx %arg5[%add3A_14, %broadcast_in_dim3A_339], %div3A_340 : memref<64x8xf32, #tpu.memory_space<vmem>>[vector<16xi32>, vector<16xi32>], vector<16xf32>,
      %broadcast_in_dim3A_341 = arith.constant 1 : i32
      %broadcast_in_dim3A_342 = vector.broadcast %broadcast_in_dim3A_341 : i32 to vector<16xi32>
      %div3A_343 = arith.divf %select_n3A_117, %max3A_337 : vector<16xf32>
      tpu.vector_store_idx %arg5[%add3A_14, %broadcast_in_dim3A_342], %div3A_343 : memref<64x8xf32, #tpu.memory_space<vmem>>[vector<16xi32>, vector<16xi32>], vector<16xf32>,
      %broadcast_in_dim3A_344 = arith.constant 2 : i32
      %broadcast_in_dim3A_345 = vector.broadcast %broadcast_in_dim3A_344 : i32 to vector<16xi32>
      %div3A_346 = arith.divf %select_n3A_147, %max3A_337 : vector<16xf32>
      tpu.vector_store_idx %arg5[%add3A_14, %broadcast_in_dim3A_345], %div3A_346 : memref<64x8xf32, #tpu.memory_space<vmem>>[vector<16xi32>, vector<16xi32>], vector<16xf32>,
      %broadcast_in_dim3A_347 = arith.constant 3 : i32
      %broadcast_in_dim3A_348 = vector.broadcast %broadcast_in_dim3A_347 : i32 to vector<16xi32>
      %div3A_349 = arith.divf %select_n3A_179, %max3A_337 : vector<16xf32>
      tpu.vector_store_idx %arg5[%add3A_14, %broadcast_in_dim3A_348], %div3A_349 : memref<64x8xf32, #tpu.memory_space<vmem>>[vector<16xi32>, vector<16xi32>], vector<16xf32>,
      %broadcast_in_dim3A_350 = arith.constant 4 : i32
      %broadcast_in_dim3A_351 = vector.broadcast %broadcast_in_dim3A_350 : i32 to vector<16xi32>
      %div3A_352 = arith.divf %select_n3A_213, %max3A_337 : vector<16xf32>
      tpu.vector_store_idx %arg5[%add3A_14, %broadcast_in_dim3A_351], %div3A_352 : memref<64x8xf32, #tpu.memory_space<vmem>>[vector<16xi32>, vector<16xi32>], vector<16xf32>,
      %broadcast_in_dim3A_353 = arith.constant 5 : i32
      %broadcast_in_dim3A_354 = vector.broadcast %broadcast_in_dim3A_353 : i32 to vector<16xi32>
      %div3A_355 = arith.divf %select_n3A_249, %max3A_337 : vector<16xf32>
      tpu.vector_store_idx %arg5[%add3A_14, %broadcast_in_dim3A_354], %div3A_355 : memref<64x8xf32, #tpu.memory_space<vmem>>[vector<16xi32>, vector<16xi32>], vector<16xf32>,
      %broadcast_in_dim3A_356 = arith.constant 6 : i32
      %broadcast_in_dim3A_357 = vector.broadcast %broadcast_in_dim3A_356 : i32 to vector<16xi32>
      %div3A_358 = arith.divf %select_n3A_287, %max3A_337 : vector<16xf32>
      tpu.vector_store_idx %arg5[%add3A_14, %broadcast_in_dim3A_357], %div3A_358 : memref<64x8xf32, #tpu.memory_space<vmem>>[vector<16xi32>, vector<16xi32>], vector<16xf32>,
      %broadcast_in_dim3A_359 = arith.constant 7 : i32
      %broadcast_in_dim3A_360 = vector.broadcast %broadcast_in_dim3A_359 : i32 to vector<16xi32>
      %div3A_361 = arith.divf %select_n3A_327, %max3A_337 : vector<16xf32>
      tpu.vector_store_idx %arg5[%add3A_14, %broadcast_in_dim3A_360], %div3A_361 : memref<64x8xf32, #tpu.memory_space<vmem>>[vector<16xi32>, vector<16xi32>], vector<16xf32>,
      %scan3A_362 = arith.constant 0 : i32
      scf.yield %scan3A_362 : i32
    }
    %scan3A_8 = arith.constant 4 : i32
    "tpu.region"() ({
      %run_scoped3A = tpu.sem_alloc : memref<!tpu.dma_semaphore, #tpu.memory_space<semaphore_mem>>
      %dma_start3A = arith.constant 0 : i32
      %dma_start3A_9 = tpu.memref_slice %arg3[%mul3A_2, %dma_start3A] : memref<2048x8xf32, #tpu.memory_space<hbm>> -> memref<64x8xf32, #tpu.memory_space<hbm>>
      %dma_start3A_10 = arith.constant 0 : i32
      %dma_start3A_11 = tpu.memref_slice %arg3[%mul3A_2, %dma_start3A_10] : memref<2048x8xf32, #tpu.memory_space<hbm>> -> memref<64x8xf32, #tpu.memory_space<hbm>>
      tpu.enqueue_dma source(%arg5 : memref<64x8xf32, #tpu.memory_space<vmem>>) target(%dma_start3A_11 : memref<64x8xf32, #tpu.memory_space<hbm>>) target_semaphore(%run_scoped3A : memref<!tpu.dma_semaphore, #tpu.memory_space<semaphore_mem>>)
      %dma_wait3A = arith.constant 0 : i32
      %dma_wait3A_12 = tpu.memref_slice %arg3[%mul3A_2, %dma_wait3A] : memref<2048x8xf32, #tpu.memory_space<hbm>> -> memref<64x8xf32, #tpu.memory_space<hbm>>
      %dma_wait3A_13 = arith.constant 0 : i32
      %dma_wait3A_14 = tpu.memref_slice %arg3[%mul3A_2, %dma_wait3A_13] : memref<2048x8xf32, #tpu.memory_space<hbm>> -> memref<64x8xf32, #tpu.memory_space<hbm>>
      tpu.wait_dma2 semaphore(%run_scoped3A : memref<!tpu.dma_semaphore, #tpu.memory_space<semaphore_mem>>) src(%arg5 : memref<64x8xf32, #tpu.memory_space<vmem>>) dst(%dma_wait3A_14 : memref<64x8xf32, #tpu.memory_space<hbm>>)
      tpu.yield
    }) : () -> ()
    return
  }
}

module attributes {stable_mosaic.version = 14 : i64} {
  func.func @_router_body(%arg0: memref<2048x768xf32, #tpu.memory_space<vmem>>, %arg1: memref<8x768xf32, #tpu.memory_space<vmem>>, %arg2: memref<2048x8xf32, #tpu.memory_space<vmem>>) attributes {dimension_semantics = [], scalar_prefetch = 0 : i64, scratch_operands = 0 : i64, tpu.core_type = #tpu.core_type<tc>} {
    %get3A = arith.constant 0 : index
    %get3A_0 = arith.constant 0 : index
    %get3A_1 = vector.load %arg0[%get3A, %get3A_0] : memref<2048x768xf32, #tpu.memory_space<vmem>>, vector<2048x768xf32>
    %get3A_2 = arith.constant 0 : index
    %get3A_3 = arith.constant 0 : index
    %get3A_4 = vector.load %arg1[%get3A_2, %get3A_3] : memref<8x768xf32, #tpu.memory_space<vmem>>, vector<8x768xf32>
    %dot_general3A = arith.constant dense<0.000000e+00> : vector<2048x8xf32>
    %dot_general3A_5 = tpu.matmul %get3A_1, %get3A_4, %dot_general3A {dimension_numbers = #tpu.dot_dimension_numbers<[1], [1], [0], [0], [0, 0, 1, 0], [], []>, transpose_lhs_hint = false} : vector<2048x768xf32>, vector<8x768xf32>, vector<2048x8xf32> -> vector<2048x8xf32>
    %swap3A = arith.constant 0 : index
    %swap3A_6 = arith.constant 0 : index
    %swap3A_7 = vector.load %arg2[%swap3A, %swap3A_6] : memref<2048x8xf32, #tpu.memory_space<vmem>>, vector<2048x8xf32>
    tpu.vector_store %arg2[%swap3A, %swap3A_6], %dot_general3A_5 {strides = array<i32>} : memref<2048x8xf32, #tpu.memory_space<vmem>>, vector<2048x8xf32>,
    return
  }
}

module attributes {stable_mosaic.version = 14 : i64} {
  func.func @_expert_body(%arg0: i32, %arg1: i32, %arg2: memref<2048x768xf32, #tpu.memory_space<vmem>>, %arg3: memref<1x384x768xf32, #tpu.memory_space<vmem>>, %arg4: memref<1x384x768xf32, #tpu.memory_space<vmem>>, %arg5: memref<1x768x384xf32, #tpu.memory_space<vmem>>, %arg6: memref<2048x8xf32, #tpu.memory_space<vmem>>, %arg7: memref<2048x768xf32, #tpu.memory_space<vmem>>, %arg8: memref<2048x768xbf16, #tpu.memory_space<vmem>>) attributes {dimension_semantics = [#tpu.dimension_semantics<arbitrary>, #tpu.dimension_semantics<arbitrary>], iteration_bounds = array<i64: 8, 2>, scalar_prefetch = 0 : i64, scratch_operands = 1 : i64, tpu.core_type = #tpu.core_type<tc>, window_params = [{pipeline_mode = #tpu.pipeline_mode<synchronous>, transform_indices = @transform_0, window_bounds = array<i64: 2048, 768>}, {transform_indices = @transform_1, window_bounds = array<i64: 1, 384, 768>}, {transform_indices = @transform_2, window_bounds = array<i64: 1, 384, 768>}, {transform_indices = @transform_3, window_bounds = array<i64: 1, 768, 384>}, {pipeline_mode = #tpu.pipeline_mode<synchronous>, transform_indices = @transform_4, window_bounds = array<i64: 2048, 8>}, {pipeline_mode = #tpu.pipeline_mode<synchronous>, transform_indices = @transform_5, window_bounds = array<i64: 2048, 768>}]} {
    %eq3A = arith.constant 0 : i32
    %eq3A_0 = arith.cmpi eq, %arg0, %eq3A : i32
    %eq3A_1 = arith.constant 0 : i32
    %eq3A_2 = arith.cmpi eq, %arg1, %eq3A_1 : i32
    %and3A = arith.andi %eq3A_0, %eq3A_2 : i1
    %convert_element_type3A = arith.extui %and3A : i1 to i32
    %cond3A = arith.constant 0 : i32
    %cond3A_3 = arith.cmpi ne, %convert_element_type3A, %cond3A : i32
    scf.if %cond3A_3 {
      %get3A_54 = arith.constant 0 : index
      %get3A_55 = arith.constant 0 : index
      %get3A_56 = vector.load %arg2[%get3A_54, %get3A_55] : memref<2048x768xf32, #tpu.memory_space<vmem>>, vector<2048x768xf32>
      %convert_element_type3A_57 = arith.truncf %get3A_56 : vector<2048x768xf32> to vector<2048x768xbf16>
      %swap3A = arith.constant 0 : index
      %swap3A_58 = arith.constant 0 : index
      %swap3A_59 = vector.load %arg8[%swap3A, %swap3A_58] : memref<2048x768xbf16, #tpu.memory_space<vmem>>, vector<2048x768xbf16>
      tpu.vector_store %arg8[%swap3A, %swap3A_58], %convert_element_type3A_57 {strides = array<i32>} : memref<2048x768xbf16, #tpu.memory_space<vmem>>, vector<2048x768xbf16>,
    } else {
    }
    %get3A = arith.constant 0 : index
    %get3A_4 = arith.constant 0 : index
    %get3A_5 = vector.load %arg8[%get3A, %get3A_4] : memref<2048x768xbf16, #tpu.memory_space<vmem>>, vector<2048x768xbf16>
    %get3A_6 = arith.constant 0 : index
    %get3A_7 = arith.constant 0 : index
    %get3A_8 = arith.constant 0 : index
    %get3A_9 = vector.load %arg3[%get3A_6, %get3A_7, %get3A_8] : memref<1x384x768xf32, #tpu.memory_space<vmem>>, vector<1x384x768xf32>
    %get3A_10 = vector.shape_cast %get3A_9 : vector<1x384x768xf32> to vector<384x768xf32>
    %convert_element_type3A_11 = arith.truncf %get3A_10 : vector<384x768xf32> to vector<384x768xbf16>
    %get3A_12 = arith.constant 0 : index
    %get3A_13 = arith.constant 0 : index
    %get3A_14 = arith.constant 0 : index
    %get3A_15 = vector.load %arg4[%get3A_12, %get3A_13, %get3A_14] : memref<1x384x768xf32, #tpu.memory_space<vmem>>, vector<1x384x768xf32>
    %get3A_16 = vector.shape_cast %get3A_15 : vector<1x384x768xf32> to vector<384x768xf32>
    %convert_element_type3A_17 = arith.truncf %get3A_16 : vector<384x768xf32> to vector<384x768xbf16>
    %get3A_18 = arith.constant 0 : index
    %get3A_19 = arith.constant 0 : index
    %get3A_20 = arith.constant 0 : index
    %get3A_21 = vector.load %arg5[%get3A_18, %get3A_19, %get3A_20] : memref<1x768x384xf32, #tpu.memory_space<vmem>>, vector<1x768x384xf32>
    %get3A_22 = vector.shape_cast %get3A_21 : vector<1x768x384xf32> to vector<768x384xf32>
    %convert_element_type3A_23 = arith.truncf %get3A_22 : vector<768x384xf32> to vector<768x384xbf16>
    %dot_general3A = arith.constant dense<0.000000e+00> : vector<2048x384xf32>
    %dot_general3A_24 = tpu.matmul %get3A_5, %convert_element_type3A_11, %dot_general3A {dimension_numbers = #tpu.dot_dimension_numbers<[1], [1], [0], [0], [0, 0, 1, 0], [], []>, transpose_lhs_hint = false} : vector<2048x768xbf16>, vector<384x768xbf16>, vector<2048x384xf32> -> vector<2048x384xf32>
    %dot_general3A_25 = arith.constant dense<0.000000e+00> : vector<2048x384xf32>
    %dot_general3A_26 = tpu.matmul %get3A_5, %convert_element_type3A_17, %dot_general3A_25 {dimension_numbers = #tpu.dot_dimension_numbers<[1], [1], [0], [0], [0, 0, 1, 0], [], []>, transpose_lhs_hint = false} : vector<2048x768xbf16>, vector<384x768xbf16>, vector<2048x384xf32> -> vector<2048x384xf32>
    %logistic3A = arith.negf %dot_general3A_24 : vector<2048x384xf32>
    %logistic3A_27 = math.exp %logistic3A : vector<2048x384xf32>
    %logistic3A_28 = arith.constant 1.000000e+00 : f32
    %logistic3A_29 = vector.broadcast %logistic3A_28 : f32 to vector<2048x384xf32>
    %logistic3A_30 = arith.addf %logistic3A_29, %logistic3A_27 : vector<2048x384xf32>
    %logistic3A_31 = arith.divf %logistic3A_29, %logistic3A_30 : vector<2048x384xf32>
    %mul3A = arith.mulf %dot_general3A_24, %logistic3A_31 : vector<2048x384xf32>
    %mul3A_32 = arith.mulf %mul3A, %dot_general3A_26 : vector<2048x384xf32>
    %convert_element_type3A_33 = arith.truncf %mul3A_32 : vector<2048x384xf32> to vector<2048x384xbf16>
    %dot_general3A_34 = arith.constant dense<0.000000e+00> : vector<2048x768xf32>
    %dot_general3A_35 = tpu.matmul %convert_element_type3A_33, %convert_element_type3A_23, %dot_general3A_34 {dimension_numbers = #tpu.dot_dimension_numbers<[1], [1], [0], [0], [0, 0, 1, 0], [], []>, transpose_lhs_hint = false} : vector<2048x384xbf16>, vector<768x384xbf16>, vector<2048x768xf32> -> vector<2048x768xf32>
    %iota3A = tpu.iota {dimensions = array<i32: 0>} : vector<8x1xi32>
    %eq3A_36 = vector.broadcast %arg0 : i32 to vector<8x1xi32>
    %eq3A_37 = arith.cmpi eq, %iota3A, %eq3A_36 : vector<8x1xi32>
    %convert_element_type3A_38 = arith.extui %eq3A_37 : vector<8x1xi1> to vector<8x1xi32>
    %convert_element_type3A_39 = arith.sitofp %convert_element_type3A_38 : vector<8x1xi32> to vector<8x1xf32>
    %get3A_40 = arith.constant 0 : index
    %get3A_41 = arith.constant 0 : index
    %get3A_42 = vector.load %arg6[%get3A_40, %get3A_41] : memref<2048x8xf32, #tpu.memory_space<vmem>>, vector<2048x8xf32>
    %dot_general3A_43 = arith.constant dense<0.000000e+00> : vector<2048x1xf32>
    %dot_general3A_44 = tpu.matmul %get3A_42, %convert_element_type3A_39, %dot_general3A_43 {dimension_numbers = #tpu.dot_dimension_numbers<[1], [0], [0], [1], [0, 0, 1, 1], [], []>, transpose_lhs_hint = false} : vector<2048x8xf32>, vector<8x1xf32>, vector<2048x1xf32> -> vector<2048x1xf32>
    %mul3A_45 = vector.broadcast %dot_general3A_44 : vector<2048x1xf32> to vector<2048x768xf32>
    %mul3A_46 = arith.mulf %dot_general3A_35, %mul3A_45 : vector<2048x768xf32>
    %convert_element_type3A_47 = arith.extui %and3A : i1 to i32
    %cond3A_48 = arith.constant 0 : i32
    %cond3A_49 = arith.cmpi ne, %convert_element_type3A_47, %cond3A_48 : i32
    scf.if %cond3A_49 {
      %swap3A = arith.constant 0 : index
      %swap3A_54 = arith.constant 0 : index
      %swap3A_55 = vector.load %arg7[%swap3A, %swap3A_54] : memref<2048x768xf32, #tpu.memory_space<vmem>>, vector<2048x768xf32>
      tpu.vector_store %arg7[%swap3A, %swap3A_54], %mul3A_46 {strides = array<i32>} : memref<2048x768xf32, #tpu.memory_space<vmem>>, vector<2048x768xf32>,
    } else {
    }
    %not3A = arith.constant true
    %not3A_50 = arith.xori %and3A, %not3A : i1
    %convert_element_type3A_51 = arith.extui %not3A_50 : i1 to i32
    %cond3A_52 = arith.constant 0 : i32
    %cond3A_53 = arith.cmpi ne, %convert_element_type3A_51, %cond3A_52 : i32
    scf.if %cond3A_53 {
      %get3A_54 = arith.constant 0 : index
      %get3A_55 = arith.constant 0 : index
      %get3A_56 = vector.load %arg7[%get3A_54, %get3A_55] : memref<2048x768xf32, #tpu.memory_space<vmem>>, vector<2048x768xf32>
      %add3A = arith.addf %get3A_56, %mul3A_46 : vector<2048x768xf32>
      %swap3A = arith.constant 0 : index
      %swap3A_57 = arith.constant 0 : index
      %swap3A_58 = vector.load %arg7[%swap3A, %swap3A_57] : memref<2048x768xf32, #tpu.memory_space<vmem>>, vector<2048x768xf32>
      tpu.vector_store %arg7[%swap3A, %swap3A_57], %add3A {strides = array<i32>} : memref<2048x768xf32, #tpu.memory_space<vmem>>, vector<2048x768xf32>,
    } else {
    }
    return
  }
  func.func @transform_0(%arg0: i32, %arg1: i32) -> (i32, i32) {
    %c0_i32 = arith.constant 0 : i32
    %c0_i32_0 = arith.constant 0 : i32
    %c0_i32_1 = arith.constant 0 : i32
    return %c0_i32, %c0_i32_0 : i32, i32
  }
  func.func @transform_1(%arg0: i32, %arg1: i32) -> (i32, i32, i32) {
    %c0_i32 = arith.constant 0 : i32
    %c0_i32_0 = arith.constant 0 : i32
    return %arg0, %arg1, %c0_i32 : i32, i32, i32
  }
  func.func @transform_2(%arg0: i32, %arg1: i32) -> (i32, i32, i32) {
    %c0_i32 = arith.constant 0 : i32
    %c0_i32_0 = arith.constant 0 : i32
    return %arg0, %arg1, %c0_i32 : i32, i32, i32
  }
  func.func @transform_3(%arg0: i32, %arg1: i32) -> (i32, i32, i32) {
    %c0_i32 = arith.constant 0 : i32
    %c0_i32_0 = arith.constant 0 : i32
    return %arg0, %c0_i32, %arg1 : i32, i32, i32
  }
  func.func @transform_4(%arg0: i32, %arg1: i32) -> (i32, i32) {
    %c0_i32 = arith.constant 0 : i32
    %c0_i32_0 = arith.constant 0 : i32
    %c0_i32_1 = arith.constant 0 : i32
    return %c0_i32, %c0_i32_0 : i32, i32
  }
  func.func @transform_5(%arg0: i32, %arg1: i32) -> (i32, i32) {
    %c0_i32 = arith.constant 0 : i32
    %c0_i32_0 = arith.constant 0 : i32
    %c0_i32_1 = arith.constant 0 : i32
    return %c0_i32, %c0_i32_0 : i32, i32
  }
}

</mosaic_0001>

<sc_bundles>
// kernel: kernel.5.cloned.1.call-start
scs
__scs_entry_jumppad:
0x0: {  	(pc) =	sbr.rel $0x88, $3  }
0x1: {  	(tag) =	ssettag $0x0;
	lr =	simm.s32 $0x1  }
0x2: {  	[smem:$0x3F9C] =	sst lr;
	_ =	strace $0xD0000000  }
0x3: {  	_ = 	snop  }
0x4: {  	_ = 	snop  }
0x5: {  	_ = 	snop  }
0x6: {  	_ = 	snop  }
0x7: {  	_ = 	snop  }
__scs_overlays_trampoline_lowered:
0x8: {  	[smem:$0x3FAB] =	sst s0  }
0x9: {  	[smem:$0x3FAC] =	sst s1  }
0xa: {  	[smem:$0x3FAD] =	sst s2  }
0xb: {  	[smem:$0x3FAE] =	sst s3  }
0xc: {  	[smem:$0x3FAF] =	sst s4  }
0xd: {  	[smem:$0x3FB0] =	sst s5  }
0xe: {  	[smem:$0x3FB1] =	sst s6  }
0xf: {  	[smem:$0x3FB2] =	sst s7  }
0x10: {  	[smem:$0x3FB3] =	sst s8  }
0x11: {  	[smem:$0x3FB4] =	sst s9;
	s0 =	simm.s32 @!p0 $0x0  }
0x12: {  	s1 =	sld [smem:$0x3F9A];
	s0 =	simm.s32 @p0 $0x1  }
0x13: {  	[smem:$0x3FB5] =	sst s0;
	s0 =	simm.s32 @!p1 $0x0  }
0x14: {  	s2 =	sld [smem:$0x3F99];
	s0 =	simm.s32 @p1 $0x1  }
0x15: {  	[smem:$0x3FB6] =	sst s0;
	s0 =	simm.s32 @!p2 $0x0  }
0x16: {  	s3 =	sld [smem:$0x3FDB];
	s0 =	simm.s32 @p2 $0x1  }
0x17: {  	s4 =	simm.s32 $0x1BF5;
	[smem:$0x3FB8] =	sst s0  }
0x18: {  	s0 =	sld [smem:$0x3F9B];
	_ =	swait.ge [sflag:s4], $0x0  }
0x19: {  	s7 =	sld [smem:$0x3F9C]  }
0x1a: {  	s8 =	sadd.s32 $0xFFFFE003, lr  }
0x1b: {  	s9 =	sadd.s32 $0xFFFFFEF7, lr;
	s5 =	simm.s32 $0xFFFFFFFF;
	p2 =	slt.u32 s8, $0xFFFFF086  }
0x1c: {  	p1 =	slt.u32 s9, $0xF7A;
	s5 =	simm.s32 @!p2 $0x0  }
0x1d: {  	s5 =	simm.s32 @p1 $0x1;
	p0 =	seq.s32 s7, s2  }
0x1e: {  	s7 =	smul.u32 @!p0 $0xF7A, s2;
	p2 =	seq.s32 @!p0 s5, $0x0  }
0x1f: {  	s9 =	smul.u32 $0xF7A, s1;
	s8 =	simm.s32 @!p0 $0x1BF5;
	p2 =	por !p2, p0  }
0x20: {  	[sflag:s8] =	ssyncset.s32 @!p0 $0xFFFFF086;
	s6 =	sadd.s32 @!p0 s3, s7;
	s7 =	simm.s32 @!p0 $0x108  }
0x21: {  	s3 =	sadd.s32 s3, s9;
	s6 =	sadd.s32 @!p0 $0x88, s6;
	s7 =	simm.s32 @p2 $0x1082  }
0x22: {  	[simem:s7], [sflag:s8] =	dma.local @!p0 [hbm:s6], $0xF7A  }
0x23: {  	s9 =	sor.u32 $0xD0000000, s2;
	s6 =	simm.s32 $0x108;
	_ =	swait.ge @!p0 [sflag:s8], $0x0  }
0x24: {  	s3 =	sadd.s32 $0x88, s3;
	s6 =	simm.s32 @!p1 $0x1082;
	[sflag:s4] =	ssyncset.s32 $0xFFFFF086  }
0x25: {  	[simem:s6], [sflag:s4] =	dma.local [hbm:s3], $0xF7A  }
0x26: {  	[smem:$0x3F9C] =	sst s1;
	(tag) =	ssettag s2;
	_ =	strace s9  }
0x27: {  	s1 =	sld [smem:$0x3FAC]  }
0x28: {  	s2 =	sld [smem:$0x3FAD]  }
0x29: {  	s4 =	sld [smem:$0x3FAF]  }
0x2a: {  	p0 =	seq.s32 s5, $0x0;
	s5 =	sld [smem:$0x3FB0]  }
0x2b: {  	s6 =	sld [smem:$0x3FB1]  }
0x2c: {  	s7 =	sld [smem:$0x3FB2]  }
0x2d: {  	s3 =	simm.s32 $0x108;
	s8 =	sld [smem:$0x3FB3]  }
0x2e: {  	s3 =	simm.s32 @!p0 $0x1082;
	s9 =	sld [smem:$0x3FB4]  }
0x2f: {  	lr =	sadd.s32 s0, s3;
	s0 =	sld [smem:$0x3FAB]  }
0x30: {  	s3 =	sld [smem:$0x3FAE]  }
0x31: {  	[smem:$0x3FB7] =	sst s10  }
0x32: {  	s10 =	sld [smem:$0x3FB5];
	_ =	sdelay $0x3  }
0x33: {  	p0 =	seq.s32 s10, $0x1;
	s10 =	sld [smem:$0x3FB7];
	_ =	sdelay $0x3  }
0x34: {  	[smem:$0x3FB7] =	sst s10  }
0x35: {  	s10 =	sld [smem:$0x3FB6];
	_ =	sdelay $0x3  }
0x36: {  	p1 =	seq.s32 s10, $0x1;
	s10 =	sld [smem:$0x3FB7];
	_ =	sdelay $0x3  }
0x37: {  	[smem:$0x3FB7] =	sst s10  }
0x38: {  	s10 =	sld [smem:$0x3FB8]  }
0x39: {  	_ = 	snop;
	(pc) =	sbr.ind lr, $3  }
0x3a: {  	_ = 	snop  }
0x3b: {  	_ = 	snop  }
0x3c: {  	p2 =	seq.s32 s10, $0x1;
	s10 =	sld [smem:$0x3FB7]  }
0x3d: {  	_ =	shalt  }
0x3e: {  	_ =	shalt  }
0x3f: {  	_ =	shalt  }
0x40: {  	_ =	shalt  }
0x41: {  	_ =	shalt  }
0x42: {  	_ =	shalt  }
0x43: {  	_ =	shalt  }
0x44: {  	_ =	shalt  }
0x45: {  	_ =	shalt  }
0x46: {  	_ =	shalt  }
0x47: {  	_ =	shalt  }
0x48: {  	_ =	shalt  }
0x49: {  	_ =	shalt  }
0x4a: {  	_ =	shalt  }
0x4b: {  	_ =	shalt  }
0x4c: {  	_ =	shalt  }
0x4d: {  	_ =	shalt  }
0x4e: {  	_ =	shalt  }
0x4f: {  	_ =	shalt  }
0x50: {  	_ =	shalt  }
0x51: {  	_ =	shalt  }
0x52: {  	_ =	shalt  }
0x53: {  	_ =	shalt  }
0x54: {  	_ =	shalt  }
0x55: {  	_ =	shalt  }
0x56: {  	_ =	shalt  }
0x57: {  	_ =	shalt  }
0x58: {  	_ =	shalt  }
0x59: {  	_ =	shalt  }
0x5a: {  	_ =	shalt  }
0x5b: {  	_ =	shalt  }
0x5c: {  	_ =	shalt  }
0x5d: {  	_ =	shalt  }
0x5e: {  	_ =	shalt  }
0x5f: {  	_ =	shalt  }
0x60: {  	_ =	shalt  }
0x61: {  	_ =	shalt  }
0x62: {  	_ =	shalt  }
0x63: {  	_ =	shalt  }
0x64: {  	_ =	shalt  }
0x65: {  	_ =	shalt  }
0x66: {  	_ =	shalt  }
0x67: {  	_ =	shalt  }
0x68: {  	_ =	shalt  }
0x69: {  	_ =	shalt  }
0x6a: {  	_ =	shalt  }
0x6b: {  	_ =	shalt  }
0x6c: {  	_ =	shalt  }
0x6d: {  	_ =	shalt  }
0x6e: {  	_ =	shalt  }
0x6f: {  	_ =	shalt  }
0x70: {  	_ =	shalt  }
0x71: {  	_ =	shalt  }
0x72: {  	_ =	shalt  }
0x73: {  	_ =	shalt  }
0x74: {  	_ =	shalt  }
0x75: {  	_ =	shalt  }
0x76: {  	_ =	shalt  }
0x77: {  	_ =	shalt  }
0x78: {  	_ =	shalt  }
0x79: {  	_ =	shalt  }
0x7a: {  	_ =	shalt  }
0x7b: {  	_ =	shalt  }
0x7c: {  	_ =	shalt  }
0x7d: {  	_ =	shalt  }
0x7e: {  	_ =	shalt  }
0x7f: {  	_ =	shalt  }
0x80: {  	_ =	shalt  }
0x81: {  	_ =	shalt  }
0x82: {  	_ =	shalt  }
0x83: {  	_ =	shalt  }
0x84: {  	_ =	shalt  }
0x85: {  	_ =	shalt  }
0x86: {  	_ =	shalt  }
0x87: {  	_ =	shalt  }
.Lfunc_end0:
.L_simem_size_0:
called_computation_lowered:
.L_overlay_start_0:
0x88: {  	s2 =	sld [smem:$0x3FD9]  }
0x89: {  	s3 =	sld [smem:$0x3FFE];
	_ =	sdelay $0x1  }
0x8a: {  	s1 =	srdreg.scid  }
0x8b: {  	s0 =	sand.u32 $0x1, s1  }
0x8c: {  	s17 =	sshll.u32 s0, $0xA;
	s2 =	sadd.s32 s3, s2  }
0x8d: {  	s2 =	sadd.s32 s2, s17  }
0x8e: {  	[smem:$0x3FC3] =	sst s2  }
0x8f: {  	_ = 	snop  }
0x90: {  	s2 =	sld [smem:$0x3FD0];
	(tm) =	ssettm $0x1  }
0x91: {  	s18 =	sld [smem:$0x3FFB];
	_ =	sdelay $0x3  }
0x92: {  	_ =	strace s18  }
0x93: {  	s3 =	sld [smem:$0x3FFC];
	_ =	sdelay $0x3  }
0x94: {  	_ =	strace s3  }
0x95: {  	s3 =	sld [smem:$0x3FFD];
	_ =	sdelay $0x3  }
0x96: {  	_ =	strace s3  }
0x97: {  	_ =	strace $0x8FFFFFFF  }
0x98: {  	s19 =	sld [smem:$0x3FDB];
	_ =	sdelay $0x1  }
0x99: {  	s4 =	simm.s32 $_scs_section_size  }
0x9a: {  	s5 =	simm.s32 $_size__tile_overlayer_lowered;
	s6 =	simm.s32 $_tile_overlayer_lowered  }
0x9b: {  	s22 =	simm.s32 $0x1BFF;
	s21 =	sshll.u32 s6, $0x1;
	s3 =	sadd.s32 s4, s19  }
0x9c: {  	s7 =	simm.s32 $0x0;
	s20 =	sshll.u32 s5, $0x1;
	s5 =	sadd.s32 s21, s3  }
0x9d: {  	[timem:s7], [sflag:s22] =	dma.local [hbm:s5], s20  }
0x9e: {  	_ =	swait.ge [sflag:s22], s20  }
0x9f: {  	s4 =	ssub.s32 $0x0, s20;
	[sflag:s22] =	ssyncset.done $0x0  }
0xa0: {  	[sflag:s22] =	ssyncadd.s32 s4;
	_ =	sdelay $0x1  }
0xa1: {  	s23 =	simm.s32 $0x1B8B  }
0xa2: {  	_ =	swait.ge [sflag:s23], $0x1  }
0xa3: {  	[sflag:s23] =	ssyncset.done $0x0  }
0xa4: {  	s25 =	simm.s32 $0x1B8E;
	s24 =	sld [smem:$0x3FFE];
	[sflag:s23] =	ssyncadd.s32 $0xFFFFFFFF  }
0xa5: {  	s26 =	simm.s32 $execute0_lowered;
	[smem:$0x3FD2] =	sst s25  }
0xa6: {  	s5 =	sshll.u32 s26, $0x1;
	_ =	strace $0x80000046;
	[dreg:$0x1] =	wrdreg $0xFFFFFFFF  }
0xa7: {  	s28 =	simm.s32 $_size_execute0_lowered;
	s3 =	sadd.s32 s3, s5;
	[dreg:$0x0] =	wrdreg $0x0  }
0xa8: {  	s5 =	sshll.u32 s28, $0x1;
	[dreg:$0x2] =	wrdreg s3  }
0xa9: {  	[dreg:$0x3] =	wrdreg s5  }
0xaa: {  	[dreg:$0x4] =	wrdreg $0xC0  }
0xab: {  	_ =	task [dreg:s7], $0x5FFFF  }
0xac: {  	[dreg:$0x1] =	wrdreg $0xFFFFFFFF  }
0xad: {  	[dreg:$0x0] =	wrdreg $0x60  }
0xae: {  	[dreg:$0x2] =	wrdreg s2  }
0xaf: {  	[dreg:$0x3] =	wrdreg s24  }
0xb0: {  	[dreg:$0x4] =	wrdreg $0x9  }
0xb1: {  	_ =	task.clear_ibuf [dreg:s7], $0x5FFFF;
	_ =	strace $0x90000046  }
0xb2: {  	s29 =	simm.s32 $0x9;
	_ =	strace $0x80000048  }
0xb3: {  	_ =	swait.ge [sflag:s29], $0x1  }
0xb4: {  	[sflag:s29] =	ssyncadd.s32 $0xFFFFFFFF  }
0xb5: {  	_ =	strace $0x90000048  }
0xb6: {  	_ =	sfence  }
0xb7: {  	s30 =	sld [smem:$0x0];
	_ =	sdelay $0x2  }
0xb8: {  	s31 =	sshll.u32 s1, $0xD;
	s1 =	sshrl.u32 s1, $0x2  }
0xb9: {  	s3 =	sand.u32 $0x4000, s31;
	s1 =	sadd.s32 s1, s30  }
0xba: {  	s0 =	sor.u32 s3, s0;
	s1 =	sshll.u32 s1, $0x11  }
0xbb: {  	s0 =	sor.u32 s1, s0  }
0xbc: {  	s0 =	sadd.s32 $0x8F2B, s0  }
0xbd: {  	[sflag:s0] =	ssyncadd.remote.s32 $0x1  }
0xbe: {  	_ =	sfence.sel $0xFFFF  }
0xbf: {  	[dreg:$0x0] =	wrdreg $0xFFFFFFFF;
	(pc) =	sbr.abs _section_cstart, $3  }
0xc0: {  	[dreg:$0x1] =	wrdreg $0xFFFFFFFF  }
0xc1: {  	_ =	task.clear_ibuf [dreg:s7], $0x2FFFF;
	_ =	strace $0x9FFFFFFF  }
0xc2: {  	(tm) =	ssettm $0x7FFFFFFF  }
0xc3: {  	_ =	shalt  }
tec
execute0_lowered:
.L_overlay_start_1:
0x0: {  	(tag) =	ssettag $0x1  }
0x1: {  	s3 =	rddreg [dreg:$0x0]  }
0x2: {  	s4 =	rddreg [dreg:$0x1]  }
0x3: {  	s0 =	rddreg [dreg:$0x2];
	s5 =	srdreg.scid  }
0x4: {  	s2 =	simm.s32 $0x0;
	s1 =	stileid.u32;
	s8 =	simm.s32 $0x0  }
0x5: {  	s5 =	sand.u32 $0x1, s5;
	s6 =	sshll.u32 s1, $0xB;
	[smem:$0x7FF] =	sst s2  }
0x6: {  	s7 =	sshll.u32 s5, $0xA;
	s5 =	ssub.s32 $0x2, s5;
	_ =	strace $0x80000047  }
0x7: {  	s6 =	sor.u32 s7, s6;
	s31 =	sshrl.u32 s5, $0x1;
	s7 =	simm.s32 $0x2000  }
0x8: {  	v0 =	vlaneseq.u32;
	s4 =	sadd.s32 s6, s4;
	s5 =	ssub.s32 s5, s31;
	s3 =	sadd.s32 s3, s6  }
0x9: {  	v1 =	vimm.s32 $0x0;
	v0 =	vmul.u32 $0x80, v0;
	s6 =	simm.s32 $0x1;
	s4 =	sadd.s32 $0xA00, s4;
	s5 =	smax.u32 s5, $0x1  }
.LBB2_1:
0xa: {  	[tilespmem:s2], [sflag:$0x1] =	stream.linear.gather [hbm4b:s3+s2], $0x2000, $0x38;
	[tilespmem:$0x4000] =	vst v63  }
0xb: {  	_ =	swait.ge [sflag:s6], $0x2000  }
0xc: {  	[sflag:s6] =	ssyncset.done $0x0  }
0xd: {  	s9 =	simm.s32 $0x0;
	[sflag:s6] =	ssyncadd.s32 $0xFFFFE000  }
.LBB2_2:
0xe: {  	v2 =	vmov s9  }
0xf: {  	v2 =	vshll.u32 v2, $0x7  }
0x10: {  	v9 =	vor.u32 v0, v2  }
0x11: {  	v8 =	vor.u32 $0x1, v9  }
0x12: {  	v7 =	vor.u32 $0x2, v9  }
0x13: {  	v6 =	vor.u32 $0x3, v9  }
0x14: {  	v2 =	vor.u32 $0x4, v9  }
0x15: {  	v3 =	vor.u32 $0x5, v9;
	v17 =	vld.idx.msk [tilespmem:v9+s2+$0x0], $0xffff  }
0x16: {  	v4 =	vor.u32 $0x6, v9;
	v15 =	vld.idx.msk [tilespmem:v8+s2+$0x0], $0xffff  }
0x17: {  	v5 =	vor.u32 $0x7, v9;
	v16 =	vld.idx.msk [tilespmem:v7+s2+$0x0], $0xffff  }
0x18: {  	v14 =	vld.idx.msk [tilespmem:v6+s2+$0x0], $0xffff  }
0x19: {  	v13 =	vld.idx.msk [tilespmem:v2+s2+$0x0], $0xffff  }
0x1a: {  	v11 =	vld.idx.msk [tilespmem:v3+s2+$0x0], $0xffff  }
0x1b: {  	v10 =	vld.idx.msk [tilespmem:v4+s2+$0x0], $0xffff;
	v18 =	vmax.f32 v17, v15  }
0x1c: {  	v12 =	vld.idx.msk [tilespmem:v5+s2+$0x0], $0xffff;
	v18 =	vmax.f32 v18, v16  }
0x1d: {  	v18 =	vmax.f32 v18, v14  }
0x1e: {  	v18 =	vmax.f32 v18, v13  }
0x1f: {  	vm0 =	vgt.f32 v15, v17;
	vm1 =	vgt.f32 v16, v17;
	v18 =	vmax.f32 v18, v11  }
0x20: {  	vm14 =	vgt.f32 v14, v17;
	vm15 =	vgt.f32 v13, v17;
	v18 =	vmax.f32 v18, v10  }
0x21: {  	vm4 =	vgt.f32 v11, v17;
	vm5 =	vgt.f32 v10, v17;
	v18 =	vmax.f32 v18, v12  }
0x22: {  	vm6 =	vgt.f32 v12, v17;
	vm8 =	vge.f32 v17, v15;
	v19 =	vsub.f32 v17, v18  }
0x23: {  	vm9 =	vgt.f32 v16, v15;
	vm10 =	vgt.f32 v14, v15;
	v20 =	vsub.f32 v15, v18  }
0x24: {  	vm11 =	vgt.f32 v13, v15;
	vm12 =	vgt.f32 v11, v15;
	v19 =	vmul.f32 $1.442695020e+00, v19  }
0x25: {  	vm13 =	vgt.f32 v10, v15;
	v21 =	vsub.f32 v16, v18;
	v20 =	vmul.f32 $1.442695020e+00, v20  }
0x26: {  	v40 =	vsel vm0, $0x1, v1;
	v41 =	vsel vm1, $0x1, v1;
	(erf) = vpow2.f32 v19  }
0x27: {  	v29 =	vsub.f32 v14, v18;
	v28 =	vmul.f32 $1.442695020e+00, v21;
	(erf) = vpow2.f32 v20  }
0x28: {  	v42 =	vsel vm14, $0x1, v1;
	v43 =	vsel vm15, $0x1, v1;
	v44 =	vsel vm4, $0x1, v1  }
0x29: {  	v31 =	vsub.f32 v13, v18;
	v30 =	vmul.f32 $1.442695020e+00, v29;
	(erf) = vpow2.f32 v28  }
0x2a: {  	v45 =	vsel vm6, $0x1, v1;
	v46 =	vsel vm8, $0x1, v1;
	v47 =	vsel vm9, $0x1, v1  }
0x2b: {  	v33 =	vsub.f32 v11, v18;
	v32 =	vmul.f32 $1.442695020e+00, v31;
	(erf) = vpow2.f32 v30  }
0x2c: {  	v48 =	vsel vm10, $0x1, v1;
	v49 =	vsel vm11, $0x1, v1;
	v50 =	vsel vm12, $0x1, v1  }
0x2d: {  	v51 =	vsel vm13, $0x1, v1;
	v34 =	vmul.f32 $1.442695020e+00, v33;
	(erf) = vpow2.f32 v32  }
0x2e: {  	vm14 =	vge.f32 v17, v16;
	vm15 =	vge.f32 v15, v16;
	v35 =	vsub.f32 v10, v18  }
0x2f: {  	vm4 =	vgt.f32 v12, v15;
	vm6 =	vgt.f32 v13, v16;
	v27 =	vpop (erf);
	(erf) = vpow2.f32 v34  }
0x30: {  	vm8 =	vgt.f32 v10, v16;
	v18 =	vsub.f32 v12, v18;
	v36 =	vmul.f32 $1.442695020e+00, v35;
	v25 =	vpop (erf)  }
0x31: {  	vm9 =	vgt.f32 v12, v16;
	vm10 =	vge.f32 v17, v14;
	v37 =	vadd.f32 v25, v27  }
0x32: {  	vm11 =	vge.f32 v15, v14;
	v18 =	vmul.f32 $1.442695020e+00, v18;
	(erf) = vpow2.f32 v36;
	v26 =	vpop (erf)  }
0x33: {  	vm12 =	vge.f32 v16, v14;
	vm13 =	vgt.f32 v13, v14;
	v38 =	vadd.f32 v37, v26  }
0x34: {  	v52 =	vsel vm14, $0x1, v1;
	v54 =	vsel vm6, $0x1, v1;
	(erf) = vpow2.f32 v18;
	v23 =	vpop (erf)  }
0x35: {  	v56 =	vsel vm8, $0x1, v1;
	v57 =	vsel vm9, $0x1, v1;
	v18 =	vadd.f32 v38, v23  }
0x36: {  	v58 =	vsel vm10, $0x1, v1;
	v59 =	vsel vm11, $0x1, v1;
	vm14 =	vgt.f32 v11, v14;
	v22 =	vpop (erf)  }
0x37: {  	vm6 =	vge.f32 v15, v13;
	vm8 =	vge.f32 v14, v13;
	v18 =	vadd.f32 v18, v22  }
0x38: {  	vm9 =	vgt.f32 v11, v13;
	vm10 =	vgt.f32 v10, v13;
	vm11 =	vgt.f32 v12, v13;
	v24 =	vpop (erf)  }
0x39: {  	v29 =	vsel vm15, $0x1, v1;
	v31 =	vsel vm12, $0x1, v1;
	v18 =	vadd.f32 v18, v24  }
0x3a: {  	vm15 =	vgt.f32 v10, v14;
	v33 =	vsel vm14, $0x1, v1;
	vm12 =	vge.f32 v17, v11  }
0x3b: {  	vm14 =	vge.f32 v16, v11;
	v28 =	vsel vm5, $0x1, v1;
	vm5 =	vgt.f32 v14, v16;
	v19 =	vpop (erf)  }
0x3c: {  	v53 =	vsel vm5, $0x1, v1;
	v30 =	vsel vm4, $0x1, v1;
	v39 =	vadd.f32 v18, v19  }
0x3d: {  	vm4 =	vgt.f32 v12, v14;
	vm5 =	vge.f32 v17, v13;
	v32 =	vsel vm13, $0x1, v1;
	v18 =	vpop (erf)  }
0x3e: {  	v35 =	vsel vm4, $0x1, v1;
	v60 =	vsel vm5, $0x1, v1;
	v20 =	vadd.f32 v39, v18  }
0x3f: {  	vm13 =	vge.f32 v15, v11;
	vm4 =	vge.f32 v13, v11;
	vm5 =	vgt.f32 v10, v11  }
0x40: {  	v62 =	vsel vm5, $0x1, v1;
	vm5 =	vge.f32 v11, v10;
	(erf) = vrcp.f32 v20  }
0x41: {  	v34 =	vsel vm15, $0x1, v1;
	vm15 =	vge.f32 v14, v11;
	v36 =	vsel vm6, $0x1, v1  }
0x42: {  	v37 =	vsel vm8, $0x1, v1;
	vm8 =	vgt.f32 v12, v11;
	v38 =	vsel vm9, $0x1, v1  }
0x43: {  	v39 =	vsel vm10, $0x1, v1;
	v20 =	vadd.s32 v40, v41;
	v40 =	vsel vm11, $0x1, v1  }
0x44: {  	v41 =	vsel vm12, $0x1, v1;
	vm12 =	vge.f32 v17, v10;
	v20 =	vadd.s32 v42, v20  }
0x45: {  	v42 =	vsel vm13, $0x1, v1;
	vm13 =	vge.f32 v15, v10;
	v20 =	vadd.s32 v43, v20  }
0x46: {  	v43 =	vsel vm14, $0x1, v1;
	vm14 =	vge.f32 v16, v10;
	v20 =	vadd.s32 v44, v20  }
0x47: {  	v44 =	vsel vm15, $0x1, v1;
	vm15 =	vge.f32 v14, v10;
	v20 =	vadd.s32 v28, v20  }
0x48: {  	v28 =	vadd.s32 v29, v52;
	v29 =	vadd.s32 v59, v58;
	v20 =	vadd.s32 v45, v20  }
0x49: {  	v28 =	vadd.s32 v53, v28;
	v45 =	vsel vm4, $0x1, v1;
	v63 =	vadd.s32 v31, v29;
	v21 =	vpop (erf)  }
0x4a: {  	vm4 =	vge.f32 v13, v10;
	vm7 =	vlt.u32 v20, $0x5;
	v27 =	vmul.f32 v21, v27  }
0x4b: {  	v28 =	vadd.s32 v54, v28;
	v25 =	vmul.f32 v21, v25;
	v26 =	vmul.f32 v21, v26  }
0x4c: {  	v23 =	vmul.f32 v21, v23;
	v20 =	vnsel vm7, $0x0, v27;
	v27 =	vadd.s32 v46, v47  }
0x4d: {  	v22 =	vmul.f32 v21, v22;
	vm7 =	vgt.f32 v11, v16;
	v27 =	vadd.s32 v48, v27  }
0x4e: {  	v24 =	vmul.f32 v21, v24;
	v55 =	vsel vm7, $0x1, v1;
	v27 =	vadd.s32 v49, v27  }
0x4f: {  	v19 =	vmul.f32 v21, v19;
	v28 =	vadd.s32 v55, v28;
	v27 =	vadd.s32 v50, v27  }
0x50: {  	vm7 =	vge.f32 v16, v13;
	v28 =	vadd.s32 v56, v28;
	v27 =	vadd.s32 v51, v27  }
0x51: {  	v61 =	vsel vm7, $0x1, v1;
	v28 =	vadd.s32 v57, v28;
	v27 =	vadd.s32 v30, v27  }
0x52: {  	v30 =	vadd.s32 v36, v60;
	vm7 =	vlt.u32 v28, $0x5;
	v28 =	vadd.s32 v32, v63  }
0x53: {  	vm6 =	vlt.u32 v27, $0x5;
	v36 =	vadd.s32 v61, v30;
	v28 =	vadd.s32 v33, v28  }
0x54: {  	v26 =	vnsel vm7, $0x0, v26;
	vm7 =	vge.f32 v15, v12;
	v29 =	vadd.s32 v37, v36  }
0x55: {  	v37 =	vadd.s32 v42, v41;
	v28 =	vadd.s32 v34, v28;
	v25 =	vnsel vm6, $0x0, v25  }
0x56: {  	v41 =	vsel vm14, $0x1, v1;
	v42 =	vsel vm15, $0x1, v1;
	vm6 =	vge.f32 v17, v12  }
0x57: {  	v15 =	vsel vm7, $0x1, v1;
	v29 =	vadd.s32 v38, v29;
	v30 =	vadd.s32 v43, v37  }
0x58: {  	v28 =	vadd.s32 v35, v28;
	v38 =	vsel vm8, $0x1, v1;
	v43 =	vsel vm4, $0x1, v1  }
0x59: {  	v46 =	vsel vm6, $0x1, v1;
	vm8 =	vge.f32 v16, v12;
	v47 =	vadd.f32 v25, v20  }
0x5a: {  	v29 =	vadd.s32 v39, v29;
	v30 =	vadd.s32 v44, v30;
	vm9 =	vlt.u32 v28, $0x5  }
0x5b: {  	v39 =	vsel vm12, $0x1, v1;
	v44 =	vsel vm5, $0x1, v1;
	v15 =	vadd.s32 v15, v46  }
0x5c: {  	v48 =	vsel vm8, $0x1, v1;
	vm12 =	vge.f32 v11, v12;
	v30 =	vadd.s32 v45, v30  }
0x5d: {  	v29 =	vadd.s32 v40, v29;
	v23 =	vnsel vm9, $0x0, v23;
	v40 =	vsel vm13, $0x1, v1  }
0x5e: {  	v15 =	vadd.s32 v48, v15;
	vm9 =	vgt.f32 v12, v10;
	v16 =	vadd.f32 v47, v26  }
0x5f: {  	v11 =	vsel vm12, $0x1, v1;
	vm13 =	vge.f32 v10, v12;
	v27 =	vadd.s32 v62, v30  }
0x60: {  	vm10 =	vlt.u32 v29, $0x5;
	v49 =	vsel vm9, $0x1, v1;
	v27 =	vadd.s32 v38, v27  }
0x61: {  	v22 =	vnsel vm10, $0x0, v22;
	vm11 =	vlt.u32 v27, $0x5;
	v27 =	vadd.s32 v40, v39  }
0x62: {  	vm10 =	vge.f32 v14, v12;
	v50 =	vadd.f32 v16, v23;
	v27 =	vadd.s32 v41, v27  }
0x63: {  	v14 =	vsel vm10, $0x1, v1;
	v24 =	vnsel vm11, $0x0, v24;
	v27 =	vadd.s32 v42, v27  }
0x64: {  	vm11 =	vge.f32 v13, v12;
	v14 =	vadd.s32 v14, v15;
	v45 =	vadd.s32 v43, v27  }
0x65: {  	v52 =	vadd.f32 v50, v22;
	v51 =	vsel vm11, $0x1, v1;
	v17 =	vadd.s32 v44, v45  }
0x66: {  	v55 =	vsel vm13, $0x1, v1;
	v54 =	vadd.s32 v51, v14;
	v53 =	vadd.s32 v49, v17  }
0x67: {  	v10 =	vadd.f32 v52, v24;
	v11 =	vadd.s32 v11, v54;
	vm14 =	vlt.u32 v53, $0x5  }
0x68: {  	v56 =	vmul.f32 v21, v18;
	v11 =	vadd.s32 v55, v11;
	v57 =	vnsel vm14, $0x0, v19  }
0x69: {  	vm15 =	vlt.u32 v11, $0x5;
	v10 =	vadd.f32 v10, v57  }
0x6a: {  	v11 =	vnsel vm15, $0x0, v56  }
0x6b: {  	v10 =	vadd.f32 v10, v11;
	_ =	sdelay $0x1  }
0x6c: {  	v10 =	vmax.f32 v10, $9.999999710e-10  }
0x6d: {  	(erf) = vrcp.f32 v10;
	_ =	sdelay $0x8  }
0x6e: {  	v10 =	vpop (erf)  }
0x6f: {  	v58 =	vmul.f32 v10, v20  }
0x70: {  	v59 =	vmul.f32 v10, v25  }
0x71: {  	v60 =	vmul.f32 v10, v26;
	[tilespmem:v9+s7+$0x0] =	vst.idx.msk $0xffff, v58  }
0x72: {  	v61 =	vmul.f32 v10, v23;
	[tilespmem:v8+s7+$0x0] =	vst.idx.msk $0xffff, v59  }
0x73: {  	p0 =	sne.s32 s9, $0x30;
	v62 =	vmul.f32 v10, v22;
	[tilespmem:v7+s7+$0x0] =	vst.idx.msk $0xffff, v60  }
.Ltmp0:
0x74: {  	v63 =	vmul.f32 v10, v24;
	[tilespmem:v6+s7+$0x0] =	vst.idx.msk $0xffff, v61;
	(pc) =	sbr.rel @p0 .LBB2_2-.Ltmp0, $4  }
0x75: {  	[tilespmem:v2+s7+$0x0] =	vst.idx.msk $0xffff, v62;
	v2 =	vmul.f32 v10, v57  }
0x76: {  	[tilespmem:v3+s7+$0x0] =	vst.idx.msk $0xffff, v63;
	v3 =	vmul.f32 v10, v11  }
0x77: {  	[tilespmem:v4+s7+$0x0] =	vst.idx.msk $0xffff, v2  }
0x78: {  	s9 =	sadd.s32 $0x10, s9;
	[tilespmem:v5+s7+$0x0] =	vst.idx.msk $0xffff, v3  }
0x79: {  	s8 =	sadd.s32 $0x1, s8  }
0x7a: {  	p0 =	sne.s32 s8, s5  }
.Ltmp1:
0x7b: {  	_ = 	snop;
	(pc) =	sbr.rel @p0 .LBB2_1-.Ltmp1, $4  }
0x7c: {  	[hbm4b:s4+s2] =	stream.linear.scatter [tilespmem:s7], [sflag:$0x1], $0x2000, $0x38;
	[tilespmem:$0x4000] =	vst v63  }
0x7d: {  	_ =	swait.ge [sflag:s6], $0x2000  }
0x7e: {  	[sflag:s6] =	ssyncset.done $0x0  }
0x7f: {  	[sflag:s6] =	ssyncadd.s32 $0xFFFFE000  }
0x80: {  	_ =	sfence.sel $0x180000  }
0x81: {  	[bflag:$0x0] =	sbarrier.arrive $0xFFFF  }
0x82: {  	p0 =	sne.s32 s1, $0x0;
	_ =	strace $0x90000047  }
0x83: {  	s0 =	sadd.s32 @!p0 $0x100000, s0;
	[bflag:$0x2] =	sbarrier.arrive $0xFFFF  }
0x84: {  	[sflag:s0] =	ssyncadd.tile.s32 @!p0 $0x1;
	_ =	shalt  }
.Lfunc_end2:
_tile_overlayer_lowered:
.L_overlay_start_2:
0x85: {  	(tag) =	ssettag $0x2  }
0x86: {  	s0 =	rddreg [dreg:$0x0];
	s2 =	stileid.u32  }
0x87: {  	s1 =	rddreg [dreg:$0x1];
	p0 =	sne.s32 s2, $0x0  }
0x88: {  	s3 =	rddreg [dreg:$0x2];
	[bflag:$0x3] =	sbarrier.arrive $0xFFFF;
	s2 =	simm.s32 @!p0 $0x1C01  }
0x89: {  	[timem:s3], [sflag:s2] =	dma.local @!p0 [hbm:s0], s1  }
0x8a: {  	s0 =	simm.s32 @!p0 $0x1  }
0x8b: {  	_ =	swait.ge @!p0 [sflag:s0], s1  }
0x8c: {  	s1 =	ssub.s32 @!p0 $0x0, s1;
	[sflag:s0] =	ssyncset.done @!p0 $0x0  }
0x8d: {  	[sflag:s0] =	ssyncadd.s32 @!p0 s1  }
0x8e: {  	[bflag:$0x3] =	sbarrier.arrive $0xFFFF  }
0x8f: {  	_ =	shalt  }

</sc_bundles>
